<compile_context>
chip_gen: v7x
topology: tpu7x:2x2x1
jax: 0.10.2.dev20260603
libtpu: 0.0.44.dev20260713+nightly
codegen_flags: <defaults>
</compile_context>

<pallas_src>
import functools

import jax
import jax.numpy as jnp
from jax import lax
from jax.experimental import pallas as pl
from jax.experimental.pallas import tpu as pltpu
from jax.experimental.pallas import tpu_sc as plsc

N_NODES = 10000
N_MESH = 320000
N_WORLD = 32000
D = 128

NC = 2
NS = 16
NW = NC * NS

MB = 80
M_PER_TILE = N_MESH // NW
M_CHUNKS = M_PER_TILE // MB
WB = 40
W_PER_TILE = N_WORLD // NW
W_CHUNKS = W_PER_TILE // WB

GM = 80
GM_OUT = M_PER_TILE // GM
M_SUBS = GM // MB
GW = 40
GW_OUT = W_PER_TILE // GW
W_SUBS = GW // WB
N_PAD = 10240
ROWS_PER_TILE = N_PAD // NS


def _sc_aggregate(edge_attr, mesh_idx, world_attr, world_idx, zeros):
  mesh = plsc.VectorSubcoreMesh(core_axis_name="c", subcore_axis_name="s",
                                num_cores=NC, num_subcores=NS)

  @functools.partial(
      pl.kernel,
      out_type=[
          jax.ShapeDtypeStruct((NC, N_PAD, D), jnp.float32),
          jax.ShapeDtypeStruct((NC, N_PAD, D), jnp.float32),
      ],
      mesh=mesh,
      scratch_types=[
          pltpu.VMEM((GM, D), jnp.float32),
          pltpu.VMEM((GM, D), jnp.float32),
          pltpu.VMEM((GM, D), jnp.float32),
          pltpu.VMEM((MB,), jnp.int32),
          pltpu.VMEM((MB,), jnp.int32),
          pltpu.VMEM((MB,), jnp.int32),
          pltpu.VMEM((WB,), jnp.int32),
          pltpu.VMEM((WB,), jnp.int32),
          pltpu.VMEM((WB,), jnp.int32),
          pltpu.VMEM_SHARED((N_PAD, D), jnp.float32),
          pltpu.SemaphoreType.DMA,
          pltpu.SemaphoreType.DMA,
          pltpu.SemaphoreType.DMA,
          pltpu.SemaphoreType.DMA,
          pltpu.SemaphoreType.DMA,
          pltpu.SemaphoreType.DMA,
      ],
  )
  def k(edge_hbm, midx_hbm, world_hbm, widx_hbm, zeros_hbm,
        mesh_out, world_out, ebuf0, ebuf1, ebuf2, ibuf0, ibuf1, ibuf2,
        wibuf0, wibuf1, wibuf2, acc,
        fsem0, fsem1, fsem2, ssem0, ssem1, ssem2):
    c = lax.axis_index("c")
    s = lax.axis_index("s")
    t = c * NS + s
    r0 = s * ROWS_PER_TILE
    ebufs = (ebuf0, ebuf1, ebuf2)
    ibufs = (ibuf0, ibuf1, ibuf2)
    wibufs = (wibuf0, wibuf1, wibuf2)
    fsems = (fsem0, fsem1, fsem2)
    ssems = (ssem0, ssem1, ssem2)

    def run_phase(nout, src, isrc, rows, primed=False):

      def buf(b):
        return ebufs[b] if rows == GM else ebufs[b].at[pl.ds(0, rows)]

      def ibuf(b):
        return ibufs[b] if rows == GM else wibufs[b]

      def fire_fetch(g, b):
        pltpu.async_copy(src(g), buf(b), fsems[b])
        pltpu.async_copy(isrc(g), ibuf(b), fsems[b])

      def slot(u, bu, first=False, fire=True):
        pltpu.make_async_copy(src(u), buf(bu), fsems[bu]).wait()
        pltpu.make_async_copy(isrc(u), ibuf(bu), fsems[bu]).wait()
        pltpu.async_copy(buf(bu), acc.at[ibuf(bu)], ssems[bu], add=True)
        bp = (bu + 2) % 3
        if not first:
          pltpu.make_async_copy(buf(bp), acc.at[ibuf(bp)], ssems[bp]).wait()
        if fire:
          fire_fetch(u + 2, bp)

      if not primed:
        fire_fetch(0, 0)
        fire_fetch(1, 1)
      slot(0, 0, first=True)

      n_main = ((nout - 4 - 1) // 3) * 3

      @pl.loop(1, 1 + n_main, step=3)
      def _(g):
        slot(g, 1 % 3)
        slot(g + 1, 2 % 3)
        slot(g + 2, 0)

      for u in range(1 + n_main, nout):
        slot(u, u % 3, fire=(u + 2 < nout))
      b_last = (nout - 1) % 3
      pltpu.make_async_copy(buf(b_last), acc.at[ibuf(b_last)],
                            ssems[b_last]).wait()

    def zero_acc_slice():
      pltpu.sync_copy(zeros_hbm, ebuf2)
      for z in range(ROWS_PER_TILE // GM):
        pltpu.sync_copy(ebuf2, acc.at[pl.ds(r0 + z * GM, GM)])

    mbase = t * M_PER_TILE
    msrc = lambda g: edge_hbm.at[pl.ds(mbase + g * GM, GM)]
    misrc = lambda g: midx_hbm.at[pl.ds(N_MESH + mbase + g * GM, GM)]
    pltpu.async_copy(msrc(0), ebuf0, fsem0)
    pltpu.async_copy(misrc(0), ibuf0, fsem0)
    pltpu.async_copy(msrc(1), ebuf1, fsem1)
    pltpu.async_copy(misrc(1), ibuf1, fsem1)
    zero_acc_slice()
    plsc.subcore_barrier()

    run_phase(GM_OUT, msrc, misrc, GM, primed=True)
    wbase = t * W_PER_TILE
    wsrc = lambda g: world_hbm.at[pl.ds(wbase + g * GW, GW)]
    wisrc = lambda g: widx_hbm.at[pl.ds(N_WORLD + wbase + g * GW, GW)]
    pltpu.async_copy(wsrc(0), ebuf0.at[pl.ds(0, GW)], fsem0)
    pltpu.async_copy(wisrc(0), wibuf0, fsem0)
    pltpu.async_copy(wsrc(1), ebuf1.at[pl.ds(0, GW)], fsem1)
    pltpu.async_copy(wisrc(1), wibuf1, fsem1)

    plsc.subcore_barrier()
    pltpu.sync_copy(acc.at[pl.ds(r0, ROWS_PER_TILE)],
                    mesh_out.at[c, pl.ds(r0, ROWS_PER_TILE)])

    zero_acc_slice()
    plsc.subcore_barrier()

    run_phase(GW_OUT, wsrc, wisrc, GW, primed=True)
    plsc.subcore_barrier()
    pltpu.sync_copy(acc.at[pl.ds(r0, ROWS_PER_TILE)],
                    world_out.at[c, pl.ds(r0, ROWS_PER_TILE)])

  return k(edge_attr, mesh_idx, world_attr, world_idx, zeros)


ROWS_BLK = 2000


def _tc_mlp_body(x, mp0, mp1, wp0, wp1, w1a, w1b, w1c, b1, w2, b2, out):
  m = mp0[0] + mp1[0]
  w = wp0[0] + wp1[0]
  h = (jnp.dot(x[...], w1a[...], preferred_element_type=jnp.float32)
       + jnp.dot(m, w1b[...], preferred_element_type=jnp.float32)
       + jnp.dot(w, w1c[...], preferred_element_type=jnp.float32)
       + b1[...])
  h = jnp.maximum(h, 0.0)
  out[...] = (jnp.dot(h, w2[...], preferred_element_type=jnp.float32)
              + b2[...])


def _tc_mlp(x, mesh_parts, world_parts, W1, b1, W2, b2):
  w1a, w1b, w1c = W1[:D], W1[D:2 * D], W1[2 * D:]
  b1r = b1.reshape(1, D)
  b2r = b2.reshape(1, D)
  rows_spec = pl.BlockSpec((ROWS_BLK, D), lambda i: (i, 0))
  part0_spec = pl.BlockSpec((1, ROWS_BLK, D), lambda i: (0, i, 0))
  part1_spec = pl.BlockSpec((1, ROWS_BLK, D), lambda i: (1, i, 0))
  full_spec = pl.BlockSpec((D, D), lambda i: (0, 0))
  bias_spec = pl.BlockSpec((1, D), lambda i: (0, 0))
  return pl.pallas_call(
      _tc_mlp_body,
      grid=(N_NODES // ROWS_BLK,),
      in_specs=[rows_spec, part0_spec, part1_spec, part0_spec, part1_spec,
                full_spec, full_spec, full_spec, bias_spec, full_spec,
                bias_spec],
      out_specs=rows_spec,
      out_shape=jax.ShapeDtypeStruct((N_NODES, D), jnp.float32),
  )(x, mesh_parts, mesh_parts, world_parts, world_parts,
    w1a, w1b, w1c, b1r, W2, b2r)


def kernel(x, edge_attr, edge_index, world_edge_attr, world_edge_index,
           W1, b1, W2, b2):
  mesh_idx = edge_index.astype(jnp.int32).reshape(-1)
  world_idx = world_edge_index.astype(jnp.int32).reshape(-1)
  zeros = jnp.zeros((GM, D), jnp.float32)
  mesh_parts, world_parts = _sc_aggregate(
      edge_attr, mesh_idx, world_edge_attr, world_idx, zeros)
  return _tc_mlp(x, mesh_parts, world_parts, W1, b1, W2, b2)

# --- scband reference (transcript-rebuilt; emitter-appended) ---
"""Pipeline reference for scband-hybrid-node-block-48034914239039 (READ-ONLY COPY).

The authoritative reference and input builder live on the scoring server;
editing this copy changes nothing except your own understanding.
"""

import jax, jax.numpy as jnp
import numpy as np

N_NODES = 10000
N_MESH_EDGES = 320000
N_WORLD_EDGES = 32000
D_FEAT = 128
D_IN = 3 * D_FEAT
D_HID = 128
D_OUT = 128


def setup_inputs(seed: int = 0) -> dict:
    key = jax.random.key(seed)
    k1, k2, k3, k4, k5, k6, k7, k8, k9 = jax.random.split(key, 9)
    x = jax.random.normal(k1, (N_NODES, D_FEAT), dtype=jnp.float32)
    edge_attr = jax.random.normal(k2, (N_MESH_EDGES, D_FEAT), dtype=jnp.float32)
    edge_index = jax.random.randint(k3, (2, N_MESH_EDGES), 0, N_NODES, dtype=jnp.int64)
    world_edge_attr = jax.random.normal(k4, (N_WORLD_EDGES, D_FEAT), dtype=jnp.float32)
    world_edge_index = jax.random.randint(k5, (2, N_WORLD_EDGES), 0, N_NODES, dtype=jnp.int64)
    # custom_func = 2-layer MLP: Linear(384->128) + ReLU + Linear(128->128)
    W1 = jax.random.normal(k6, (D_IN, D_HID), dtype=jnp.float32) * (1.0 / np.sqrt(D_IN))
    b1 = jnp.zeros((D_HID,), dtype=jnp.float32)
    W2 = jax.random.normal(k7, (D_HID, D_OUT), dtype=jnp.float32) * (1.0 / np.sqrt(D_HID))
    b2 = jnp.zeros((D_OUT,), dtype=jnp.float32)
    return {
        "x": x,
        "edge_attr": edge_attr,
        "edge_index": edge_index,
        "world_edge_attr": world_edge_attr,
        "world_edge_index": world_edge_index,
        "W1": W1,
        "b1": b1,
        "W2": W2,
        "b2": b2,
    }


def reference(x, edge_attr, edge_index, world_edge_attr, world_edge_index, W1, b1, W2, b2):
    num_nodes = x.shape[0]
    # mesh aggregation: scatter-add edge features into receiver nodes
    mesh_receivers = edge_index[1]
    mesh_agg = jax.ops.segment_sum(edge_attr, mesh_receivers, num_segments=num_nodes)
    # world aggregation
    world_receivers = world_edge_index[1]
    world_agg = jax.ops.segment_sum(world_edge_attr, world_receivers, num_segments=num_nodes)
    collected_nodes = jnp.concatenate([x, mesh_agg, world_agg], axis=-1)
    h = jax.nn.relu(collected_nodes @ W1 + b1)
    out = h @ W2 + b2
    return out

if __name__ == "__main__":
    import jax
    _d = setup_inputs()
    print(jax.jit(kernel)(*tuple(_d.values())))

</pallas_src>

<mosaic_0001>
#map = affine_map<(d0, d1) -> (0, 0)>
#map1 = affine_map<(d0, d1) -> (0)>
#map2 = affine_map<(d0, d1) -> (0, 0, 0)>
module attributes {stable_mosaic.version = 14 : i64} {
  func.func @k(%arg0: i32, %arg1: i32, %arg2: memref<320000x128xf32, #tpu.memory_space<hbm>>, %arg3: memref<640000xi32, #tpu.memory_space<hbm>>, %arg4: memref<32000x128xf32, #tpu.memory_space<hbm>>, %arg5: memref<64000xi32, #tpu.memory_space<hbm>>, %arg6: memref<80x128xf32, #tpu.memory_space<hbm>>, %arg7: memref<2x10240x128xf32, #tpu.memory_space<hbm>>, %arg8: memref<2x10240x128xf32, #tpu.memory_space<hbm>>, %arg9: memref<80x128xf32, #tpu.memory_space<vmem>>, %arg10: memref<80x128xf32, #tpu.memory_space<vmem>>, %arg11: memref<80x128xf32, #tpu.memory_space<vmem>>, %arg12: memref<80xi32, #tpu.memory_space<vmem>>, %arg13: memref<80xi32, #tpu.memory_space<vmem>>, %arg14: memref<80xi32, #tpu.memory_space<vmem>>, %arg15: memref<40xi32, #tpu.memory_space<vmem>>, %arg16: memref<40xi32, #tpu.memory_space<vmem>>, %arg17: memref<40xi32, #tpu.memory_space<vmem>>, %arg18: memref<10240x128xf32, #tpu.memory_space<vmem_shared>>, %arg19: memref<!tpu.dma_semaphore, #tpu.memory_space<semaphore_mem>>, %arg20: memref<!tpu.dma_semaphore, #tpu.memory_space<semaphore_mem>>, %arg21: memref<!tpu.dma_semaphore, #tpu.memory_space<semaphore_mem>>, %arg22: memref<!tpu.dma_semaphore, #tpu.memory_space<semaphore_mem>>, %arg23: memref<!tpu.dma_semaphore, #tpu.memory_space<semaphore_mem>>, %arg24: memref<!tpu.dma_semaphore, #tpu.memory_space<semaphore_mem>>) attributes {dimension_semantics = [#tpu.dimension_semantics<core_parallel>, #tpu.dimension_semantics<subcore_parallel>], iteration_bounds = array<i64: 2, 16>, scalar_prefetch = 0 : i64, scratch_operands = 16 : i64, tpu.core_type = #tpu.core_type<sc_vector_subcore>, window_params = [{transform_indices = #map}, {transform_indices = #map1}, {transform_indices = #map}, {transform_indices = #map1}, {transform_indices = #map}, {transform_indices = #map2}, {transform_indices = #map2}]} {
    %mul3A = arith.constant 16 : i32
    %mul3A_0 = arith.muli %arg0, %mul3A : i32
    %add3A = arith.addi %mul3A_0, %arg1 : i32
    %mul3A_1 = arith.constant 640 : i32
    %mul3A_2 = arith.muli %arg1, %mul3A_1 : i32
    %mul3A_3 = arith.constant 10000 : i32
    %mul3A_4 = arith.muli %add3A, %mul3A_3 : i32
    %add3A_5 = arith.constant 0 : i32
    %add3A_6 = arith.addi %mul3A_4, %add3A_5 : i32
    %dma_start3A = arith.constant 0 : i32
    %dma_start3A_7 = tpu.memref_slice %arg2[%add3A_6, %dma_start3A] : memref<320000x128xf32, #tpu.memory_space<hbm>> -> memref<80x128xf32, #tpu.memory_space<hbm>>
    %dma_start3A_8 = arith.constant 0 : i32
    %dma_start3A_9 = tpu.memref_slice %arg2[%add3A_6, %dma_start3A_8] : memref<320000x128xf32, #tpu.memory_space<hbm>> -> memref<80x128xf32, #tpu.memory_space<hbm>>
    tpu.enqueue_dma source(%dma_start3A_9 : memref<80x128xf32, #tpu.memory_space<hbm>>) target(%arg9 : memref<80x128xf32, #tpu.memory_space<vmem>>) target_semaphore(%arg19 : memref<!tpu.dma_semaphore, #tpu.memory_space<semaphore_mem>>)
    %add3A_10 = arith.constant 320000 : i32
    %add3A_11 = arith.addi %add3A_10, %mul3A_4 : i32
    %add3A_12 = arith.constant 0 : i32
    %add3A_13 = arith.addi %add3A_11, %add3A_12 : i32
    %dma_start3A_14 = tpu.memref_slice %arg3[%add3A_13] : memref<640000xi32, #tpu.memory_space<hbm>> -> memref<80xi32, #tpu.memory_space<hbm>>
    %dma_start3A_15 = tpu.memref_slice %arg3[%add3A_13] : memref<640000xi32, #tpu.memory_space<hbm>> -> memref<80xi32, #tpu.memory_space<hbm>>
    tpu.enqueue_dma source(%dma_start3A_15 : memref<80xi32, #tpu.memory_space<hbm>>) target(%arg12 : memref<80xi32, #tpu.memory_space<vmem>>) target_semaphore(%arg19 : memref<!tpu.dma_semaphore, #tpu.memory_space<semaphore_mem>>)
    %add3A_16 = arith.constant 80 : i32
    %add3A_17 = arith.addi %mul3A_4, %add3A_16 : i32
    %dma_start3A_18 = arith.constant 0 : i32
    %dma_start3A_19 = tpu.memref_slice %arg2[%add3A_17, %dma_start3A_18] : memref<320000x128xf32, #tpu.memory_space<hbm>> -> memref<80x128xf32, #tpu.memory_space<hbm>>
    %dma_start3A_20 = arith.constant 0 : i32
    %dma_start3A_21 = tpu.memref_slice %arg2[%add3A_17, %dma_start3A_20] : memref<320000x128xf32, #tpu.memory_space<hbm>> -> memref<80x128xf32, #tpu.memory_space<hbm>>
    tpu.enqueue_dma source(%dma_start3A_21 : memref<80x128xf32, #tpu.memory_space<hbm>>) target(%arg10 : memref<80x128xf32, #tpu.memory_space<vmem>>) target_semaphore(%arg20 : memref<!tpu.dma_semaphore, #tpu.memory_space<semaphore_mem>>)
    %add3A_22 = arith.constant 320000 : i32
    %add3A_23 = arith.addi %add3A_22, %mul3A_4 : i32
    %add3A_24 = arith.constant 80 : i32
    %add3A_25 = arith.addi %add3A_23, %add3A_24 : i32
    %dma_start3A_26 = tpu.memref_slice %arg3[%add3A_25] : memref<640000xi32, #tpu.memory_space<hbm>> -> memref<80xi32, #tpu.memory_space<hbm>>
    %dma_start3A_27 = tpu.memref_slice %arg3[%add3A_25] : memref<640000xi32, #tpu.memory_space<hbm>> -> memref<80xi32, #tpu.memory_space<hbm>>
    tpu.enqueue_dma source(%dma_start3A_27 : memref<80xi32, #tpu.memory_space<hbm>>) target(%arg13 : memref<80xi32, #tpu.memory_space<vmem>>) target_semaphore(%arg20 : memref<!tpu.dma_semaphore, #tpu.memory_space<semaphore_mem>>)
    "tpu.region"() ({
      %run_scoped3A = tpu.sem_alloc : memref<!tpu.dma_semaphore, #tpu.memory_space<semaphore_mem>>
      tpu.enqueue_dma source(%arg6 : memref<80x128xf32, #tpu.memory_space<hbm>>) target(%arg11 : memref<80x128xf32, #tpu.memory_space<vmem>>) target_semaphore(%run_scoped3A : memref<!tpu.dma_semaphore, #tpu.memory_space<semaphore_mem>>)
      tpu.wait_dma2 semaphore(%run_scoped3A : memref<!tpu.dma_semaphore, #tpu.memory_space<semaphore_mem>>) src(%arg6 : memref<80x128xf32, #tpu.memory_space<hbm>>) dst(%arg11 : memref<80x128xf32, #tpu.memory_space<vmem>>)
      tpu.yield
    }) : () -> ()
    %add3A_28 = arith.constant 0 : i32
    %add3A_29 = arith.addi %mul3A_2, %add3A_28 : i32
    "tpu.region"() ({
      %run_scoped3A = tpu.sem_alloc : memref<!tpu.dma_semaphore, #tpu.memory_space<semaphore_mem>>
      %dma_start3A_535 = arith.constant 0 : i32
      %dma_start3A_536 = tpu.memref_slice %arg18[%add3A_29, %dma_start3A_535] : memref<10240x128xf32, #tpu.memory_space<vmem_shared>> -> memref<80x128xf32, #tpu.memory_space<vmem_shared>>
      %dma_start3A_537 = arith.constant 0 : i32
      %dma_start3A_538 = tpu.memref_slice %arg18[%add3A_29, %dma_start3A_537] : memref<10240x128xf32, #tpu.memory_space<vmem_shared>> -> memref<80x128xf32, #tpu.memory_space<vmem_shared>>
      tpu.enqueue_dma source(%arg11 : memref<80x128xf32, #tpu.memory_space<vmem>>) target(%dma_start3A_538 : memref<80x128xf32, #tpu.memory_space<vmem_shared>>) target_semaphore(%run_scoped3A : memref<!tpu.dma_semaphore, #tpu.memory_space<semaphore_mem>>)
      %dma_wait3A_539 = arith.constant 0 : i32
      %dma_wait3A_540 = tpu.memref_slice %arg18[%add3A_29, %dma_wait3A_539] : memref<10240x128xf32, #tpu.memory_space<vmem_shared>> -> memref<80x128xf32, #tpu.memory_space<vmem_shared>>
      %dma_wait3A_541 = arith.constant 0 : i32
      %dma_wait3A_542 = tpu.memref_slice %arg18[%add3A_29, %dma_wait3A_541] : memref<10240x128xf32, #tpu.memory_space<vmem_shared>> -> memref<80x128xf32, #tpu.memory_space<vmem_shared>>
      tpu.wait_dma2 semaphore(%run_scoped3A : memref<!tpu.dma_semaphore, #tpu.memory_space<semaphore_mem>>) src(%arg11 : memref<80x128xf32, #tpu.memory_space<vmem>>) dst(%dma_wait3A_542 : memref<80x128xf32, #tpu.memory_space<vmem_shared>>)
      tpu.yield
    }) : () -> ()
    %add3A_30 = arith.constant 80 : i32
    %add3A_31 = arith.addi %mul3A_2, %add3A_30 : i32
    "tpu.region"() ({
      %run_scoped3A = tpu.sem_alloc : memref<!tpu.dma_semaphore, #tpu.memory_space<semaphore_mem>>
      %dma_start3A_535 = arith.constant 0 : i32
      %dma_start3A_536 = tpu.memref_slice %arg18[%add3A_31, %dma_start3A_535] : memref<10240x128xf32, #tpu.memory_space<vmem_shared>> -> memref<80x128xf32, #tpu.memory_space<vmem_shared>>
      %dma_start3A_537 = arith.constant 0 : i32
      %dma_start3A_538 = tpu.memref_slice %arg18[%add3A_31, %dma_start3A_537] : memref<10240x128xf32, #tpu.memory_space<vmem_shared>> -> memref<80x128xf32, #tpu.memory_space<vmem_shared>>
      tpu.enqueue_dma source(%arg11 : memref<80x128xf32, #tpu.memory_space<vmem>>) target(%dma_start3A_538 : memref<80x128xf32, #tpu.memory_space<vmem_shared>>) target_semaphore(%run_scoped3A : memref<!tpu.dma_semaphore, #tpu.memory_space<semaphore_mem>>)
      %dma_wait3A_539 = arith.constant 0 : i32
      %dma_wait3A_540 = tpu.memref_slice %arg18[%add3A_31, %dma_wait3A_539] : memref<10240x128xf32, #tpu.memory_space<vmem_shared>> -> memref<80x128xf32, #tpu.memory_space<vmem_shared>>
      %dma_wait3A_541 = arith.constant 0 : i32
      %dma_wait3A_542 = tpu.memref_slice %arg18[%add3A_31, %dma_wait3A_541] : memref<10240x128xf32, #tpu.memory_space<vmem_shared>> -> memref<80x128xf32, #tpu.memory_space<vmem_shared>>
      tpu.wait_dma2 semaphore(%run_scoped3A : memref<!tpu.dma_semaphore, #tpu.memory_space<semaphore_mem>>) src(%arg11 : memref<80x128xf32, #tpu.memory_space<vmem>>) dst(%dma_wait3A_542 : memref<80x128xf32, #tpu.memory_space<vmem_shared>>)
      tpu.yield
    }) : () -> ()
    %add3A_32 = arith.constant 160 : i32
    %add3A_33 = arith.addi %mul3A_2, %add3A_32 : i32
    "tpu.region"() ({
      %run_scoped3A = tpu.sem_alloc : memref<!tpu.dma_semaphore, #tpu.memory_space<semaphore_mem>>
      %dma_start3A_535 = arith.constant 0 : i32
      %dma_start3A_536 = tpu.memref_slice %arg18[%add3A_33, %dma_start3A_535] : memref<10240x128xf32, #tpu.memory_space<vmem_shared>> -> memref<80x128xf32, #tpu.memory_space<vmem_shared>>
      %dma_start3A_537 = arith.constant 0 : i32
      %dma_start3A_538 = tpu.memref_slice %arg18[%add3A_33, %dma_start3A_537] : memref<10240x128xf32, #tpu.memory_space<vmem_shared>> -> memref<80x128xf32, #tpu.memory_space<vmem_shared>>
      tpu.enqueue_dma source(%arg11 : memref<80x128xf32, #tpu.memory_space<vmem>>) target(%dma_start3A_538 : memref<80x128xf32, #tpu.memory_space<vmem_shared>>) target_semaphore(%run_scoped3A : memref<!tpu.dma_semaphore, #tpu.memory_space<semaphore_mem>>)
      %dma_wait3A_539 = arith.constant 0 : i32
      %dma_wait3A_540 = tpu.memref_slice %arg18[%add3A_33, %dma_wait3A_539] : memref<10240x128xf32, #tpu.memory_space<vmem_shared>> -> memref<80x128xf32, #tpu.memory_space<vmem_shared>>
      %dma_wait3A_541 = arith.constant 0 : i32
      %dma_wait3A_542 = tpu.memref_slice %arg18[%add3A_33, %dma_wait3A_541] : memref<10240x128xf32, #tpu.memory_space<vmem_shared>> -> memref<80x128xf32, #tpu.memory_space<vmem_shared>>
      tpu.wait_dma2 semaphore(%run_scoped3A : memref<!tpu.dma_semaphore, #tpu.memory_space<semaphore_mem>>) src(%arg11 : memref<80x128xf32, #tpu.memory_space<vmem>>) dst(%dma_wait3A_542 : memref<80x128xf32, #tpu.memory_space<vmem_shared>>)
      tpu.yield
    }) : () -> ()
    %add3A_34 = arith.constant 240 : i32
    %add3A_35 = arith.addi %mul3A_2, %add3A_34 : i32
    "tpu.region"() ({
      %run_scoped3A = tpu.sem_alloc : memref<!tpu.dma_semaphore, #tpu.memory_space<semaphore_mem>>
      %dma_start3A_535 = arith.constant 0 : i32
      %dma_start3A_536 = tpu.memref_slice %arg18[%add3A_35, %dma_start3A_535] : memref<10240x128xf32, #tpu.memory_space<vmem_shared>> -> memref<80x128xf32, #tpu.memory_space<vmem_shared>>
      %dma_start3A_537 = arith.constant 0 : i32
      %dma_start3A_538 = tpu.memref_slice %arg18[%add3A_35, %dma_start3A_537] : memref<10240x128xf32, #tpu.memory_space<vmem_shared>> -> memref<80x128xf32, #tpu.memory_space<vmem_shared>>
      tpu.enqueue_dma source(%arg11 : memref<80x128xf32, #tpu.memory_space<vmem>>) target(%dma_start3A_538 : memref<80x128xf32, #tpu.memory_space<vmem_shared>>) target_semaphore(%run_scoped3A : memref<!tpu.dma_semaphore, #tpu.memory_space<semaphore_mem>>)
      %dma_wait3A_539 = arith.constant 0 : i32
      %dma_wait3A_540 = tpu.memref_slice %arg18[%add3A_35, %dma_wait3A_539] : memref<10240x128xf32, #tpu.memory_space<vmem_shared>> -> memref<80x128xf32, #tpu.memory_space<vmem_shared>>
      %dma_wait3A_541 = arith.constant 0 : i32
      %dma_wait3A_542 = tpu.memref_slice %arg18[%add3A_35, %dma_wait3A_541] : memref<10240x128xf32, #tpu.memory_space<vmem_shared>> -> memref<80x128xf32, #tpu.memory_space<vmem_shared>>
      tpu.wait_dma2 semaphore(%run_scoped3A : memref<!tpu.dma_semaphore, #tpu.memory_space<semaphore_mem>>) src(%arg11 : memref<80x128xf32, #tpu.memory_space<vmem>>) dst(%dma_wait3A_542 : memref<80x128xf32, #tpu.memory_space<vmem_shared>>)
      tpu.yield
    }) : () -> ()
    %add3A_36 = arith.constant 320 : i32
    %add3A_37 = arith.addi %mul3A_2, %add3A_36 : i32
    "tpu.region"() ({
      %run_scoped3A = tpu.sem_alloc : memref<!tpu.dma_semaphore, #tpu.memory_space<semaphore_mem>>
      %dma_start3A_535 = arith.constant 0 : i32
      %dma_start3A_536 = tpu.memref_slice %arg18[%add3A_37, %dma_start3A_535] : memref<10240x128xf32, #tpu.memory_space<vmem_shared>> -> memref<80x128xf32, #tpu.memory_space<vmem_shared>>
      %dma_start3A_537 = arith.constant 0 : i32
      %dma_start3A_538 = tpu.memref_slice %arg18[%add3A_37, %dma_start3A_537] : memref<10240x128xf32, #tpu.memory_space<vmem_shared>> -> memref<80x128xf32, #tpu.memory_space<vmem_shared>>
      tpu.enqueue_dma source(%arg11 : memref<80x128xf32, #tpu.memory_space<vmem>>) target(%dma_start3A_538 : memref<80x128xf32, #tpu.memory_space<vmem_shared>>) target_semaphore(%run_scoped3A : memref<!tpu.dma_semaphore, #tpu.memory_space<semaphore_mem>>)
      %dma_wait3A_539 = arith.constant 0 : i32
      %dma_wait3A_540 = tpu.memref_slice %arg18[%add3A_37, %dma_wait3A_539] : memref<10240x128xf32, #tpu.memory_space<vmem_shared>> -> memref<80x128xf32, #tpu.memory_space<vmem_shared>>
      %dma_wait3A_541 = arith.constant 0 : i32
      %dma_wait3A_542 = tpu.memref_slice %arg18[%add3A_37, %dma_wait3A_541] : memref<10240x128xf32, #tpu.memory_space<vmem_shared>> -> memref<80x128xf32, #tpu.memory_space<vmem_shared>>
      tpu.wait_dma2 semaphore(%run_scoped3A : memref<!tpu.dma_semaphore, #tpu.memory_space<semaphore_mem>>) src(%arg11 : memref<80x128xf32, #tpu.memory_space<vmem>>) dst(%dma_wait3A_542 : memref<80x128xf32, #tpu.memory_space<vmem_shared>>)
      tpu.yield
    }) : () -> ()
    %add3A_38 = arith.constant 400 : i32
    %add3A_39 = arith.addi %mul3A_2, %add3A_38 : i32
    "tpu.region"() ({
      %run_scoped3A = tpu.sem_alloc : memref<!tpu.dma_semaphore, #tpu.memory_space<semaphore_mem>>
      %dma_start3A_535 = arith.constant 0 : i32
      %dma_start3A_536 = tpu.memref_slice %arg18[%add3A_39, %dma_start3A_535] : memref<10240x128xf32, #tpu.memory_space<vmem_shared>> -> memref<80x128xf32, #tpu.memory_space<vmem_shared>>
      %dma_start3A_537 = arith.constant 0 : i32
      %dma_start3A_538 = tpu.memref_slice %arg18[%add3A_39, %dma_start3A_537] : memref<10240x128xf32, #tpu.memory_space<vmem_shared>> -> memref<80x128xf32, #tpu.memory_space<vmem_shared>>
      tpu.enqueue_dma source(%arg11 : memref<80x128xf32, #tpu.memory_space<vmem>>) target(%dma_start3A_538 : memref<80x128xf32, #tpu.memory_space<vmem_shared>>) target_semaphore(%run_scoped3A : memref<!tpu.dma_semaphore, #tpu.memory_space<semaphore_mem>>)
      %dma_wait3A_539 = arith.constant 0 : i32
      %dma_wait3A_540 = tpu.memref_slice %arg18[%add3A_39, %dma_wait3A_539] : memref<10240x128xf32, #tpu.memory_space<vmem_shared>> -> memref<80x128xf32, #tpu.memory_space<vmem_shared>>
      %dma_wait3A_541 = arith.constant 0 : i32
      %dma_wait3A_542 = tpu.memref_slice %arg18[%add3A_39, %dma_wait3A_541] : memref<10240x128xf32, #tpu.memory_space<vmem_shared>> -> memref<80x128xf32, #tpu.memory_space<vmem_shared>>
      tpu.wait_dma2 semaphore(%run_scoped3A : memref<!tpu.dma_semaphore, #tpu.memory_space<semaphore_mem>>) src(%arg11 : memref<80x128xf32, #tpu.memory_space<vmem>>) dst(%dma_wait3A_542 : memref<80x128xf32, #tpu.memory_space<vmem_shared>>)
      tpu.yield
    }) : () -> ()
    %add3A_40 = arith.constant 480 : i32
    %add3A_41 = arith.addi %mul3A_2, %add3A_40 : i32
    "tpu.region"() ({
      %run_scoped3A = tpu.sem_alloc : memref<!tpu.dma_semaphore, #tpu.memory_space<semaphore_mem>>
      %dma_start3A_535 = arith.constant 0 : i32
      %dma_start3A_536 = tpu.memref_slice %arg18[%add3A_41, %dma_start3A_535] : memref<10240x128xf32, #tpu.memory_space<vmem_shared>> -> memref<80x128xf32, #tpu.memory_space<vmem_shared>>
      %dma_start3A_537 = arith.constant 0 : i32
      %dma_start3A_538 = tpu.memref_slice %arg18[%add3A_41, %dma_start3A_537] : memref<10240x128xf32, #tpu.memory_space<vmem_shared>> -> memref<80x128xf32, #tpu.memory_space<vmem_shared>>
      tpu.enqueue_dma source(%arg11 : memref<80x128xf32, #tpu.memory_space<vmem>>) target(%dma_start3A_538 : memref<80x128xf32, #tpu.memory_space<vmem_shared>>) target_semaphore(%run_scoped3A : memref<!tpu.dma_semaphore, #tpu.memory_space<semaphore_mem>>)
      %dma_wait3A_539 = arith.constant 0 : i32
      %dma_wait3A_540 = tpu.memref_slice %arg18[%add3A_41, %dma_wait3A_539] : memref<10240x128xf32, #tpu.memory_space<vmem_shared>> -> memref<80x128xf32, #tpu.memory_space<vmem_shared>>
      %dma_wait3A_541 = arith.constant 0 : i32
      %dma_wait3A_542 = tpu.memref_slice %arg18[%add3A_41, %dma_wait3A_541] : memref<10240x128xf32, #tpu.memory_space<vmem_shared>> -> memref<80x128xf32, #tpu.memory_space<vmem_shared>>
      tpu.wait_dma2 semaphore(%run_scoped3A : memref<!tpu.dma_semaphore, #tpu.memory_space<semaphore_mem>>) src(%arg11 : memref<80x128xf32, #tpu.memory_space<vmem>>) dst(%dma_wait3A_542 : memref<80x128xf32, #tpu.memory_space<vmem_shared>>)
      tpu.yield
    }) : () -> ()
    %add3A_42 = arith.constant 560 : i32
    %add3A_43 = arith.addi %mul3A_2, %add3A_42 : i32
    "tpu.region"() ({
      %run_scoped3A = tpu.sem_alloc : memref<!tpu.dma_semaphore, #tpu.memory_space<semaphore_mem>>
      %dma_start3A_535 = arith.constant 0 : i32
      %dma_start3A_536 = tpu.memref_slice %arg18[%add3A_43, %dma_start3A_535] : memref<10240x128xf32, #tpu.memory_space<vmem_shared>> -> memref<80x128xf32, #tpu.memory_space<vmem_shared>>
      %dma_start3A_537 = arith.constant 0 : i32
      %dma_start3A_538 = tpu.memref_slice %arg18[%add3A_43, %dma_start3A_537] : memref<10240x128xf32, #tpu.memory_space<vmem_shared>> -> memref<80x128xf32, #tpu.memory_space<vmem_shared>>
      tpu.enqueue_dma source(%arg11 : memref<80x128xf32, #tpu.memory_space<vmem>>) target(%dma_start3A_538 : memref<80x128xf32, #tpu.memory_space<vmem_shared>>) target_semaphore(%run_scoped3A : memref<!tpu.dma_semaphore, #tpu.memory_space<semaphore_mem>>)
      %dma_wait3A_539 = arith.constant 0 : i32
      %dma_wait3A_540 = tpu.memref_slice %arg18[%add3A_43, %dma_wait3A_539] : memref<10240x128xf32, #tpu.memory_space<vmem_shared>> -> memref<80x128xf32, #tpu.memory_space<vmem_shared>>
      %dma_wait3A_541 = arith.constant 0 : i32
      %dma_wait3A_542 = tpu.memref_slice %arg18[%add3A_43, %dma_wait3A_541] : memref<10240x128xf32, #tpu.memory_space<vmem_shared>> -> memref<80x128xf32, #tpu.memory_space<vmem_shared>>
      tpu.wait_dma2 semaphore(%run_scoped3A : memref<!tpu.dma_semaphore, #tpu.memory_space<semaphore_mem>>) src(%arg11 : memref<80x128xf32, #tpu.memory_space<vmem>>) dst(%dma_wait3A_542 : memref<80x128xf32, #tpu.memory_space<vmem_shared>>)
      tpu.yield
    }) : () -> ()
    %barrier3A = arith.constant 0 : index
    tpu.barrier barrier_id(%barrier3A)
    %add3A_44 = arith.constant 0 : i32
    %add3A_45 = arith.addi %mul3A_4, %add3A_44 : i32
    %dma_wait3A = arith.constant 0 : i32
    %dma_wait3A_46 = tpu.memref_slice %arg2[%add3A_45, %dma_wait3A] : memref<320000x128xf32, #tpu.memory_space<hbm>> -> memref<80x128xf32, #tpu.memory_space<hbm>>
    %dma_wait3A_47 = arith.constant 0 : i32
    %dma_wait3A_48 = tpu.memref_slice %arg2[%add3A_45, %dma_wait3A_47] : memref<320000x128xf32, #tpu.memory_space<hbm>> -> memref<80x128xf32, #tpu.memory_space<hbm>>
    tpu.wait_dma2 semaphore(%arg19 : memref<!tpu.dma_semaphore, #tpu.memory_space<semaphore_mem>>) src(%dma_wait3A_48 : memref<80x128xf32, #tpu.memory_space<hbm>>) dst(%arg9 : memref<80x128xf32, #tpu.memory_space<vmem>>)
    %add3A_49 = arith.constant 320000 : i32
    %add3A_50 = arith.addi %add3A_49, %mul3A_4 : i32
    %add3A_51 = arith.constant 0 : i32
    %add3A_52 = arith.addi %add3A_50, %add3A_51 : i32
    %dma_wait3A_53 = tpu.memref_slice %arg3[%add3A_52] : memref<640000xi32, #tpu.memory_space<hbm>> -> memref<80xi32, #tpu.memory_space<hbm>>
    %dma_wait3A_54 = tpu.memref_slice %arg3[%add3A_52] : memref<640000xi32, #tpu.memory_space<hbm>> -> memref<80xi32, #tpu.memory_space<hbm>>
    tpu.wait_dma2 semaphore(%arg19 : memref<!tpu.dma_semaphore, #tpu.memory_space<semaphore_mem>>) src(%dma_wait3A_54 : memref<80xi32, #tpu.memory_space<hbm>>) dst(%arg12 : memref<80xi32, #tpu.memory_space<vmem>>)
    %dma_start3A_55 = arith.constant 0 : i32
    %dma_start3A_56 = arith.constant 0 : i32
    %dma_start3A_57 = tpu.memref_slice %arg18[%dma_start3A_55, %dma_start3A_56] : memref<10240x128xf32, #tpu.memory_space<vmem_shared>> -> memref<10240x128xf32, #tpu.memory_space<vmem_shared>>
    tpu.enqueue_indirect_dma source(%arg9 : memref<80x128xf32, #tpu.memory_space<vmem>>) target(%dma_start3A_57 : memref<10240x128xf32, #tpu.memory_space<vmem_shared>>) offsets(%arg12 : memref<80xi32, #tpu.memory_space<vmem>>) semaphore(%arg22 : memref<!tpu.dma_semaphore, #tpu.memory_space<semaphore_mem>>) {add = true}
    %add3A_58 = arith.constant 160 : i32
    %add3A_59 = arith.addi %mul3A_4, %add3A_58 : i32
    %dma_start3A_60 = arith.constant 0 : i32
    %dma_start3A_61 = tpu.memref_slice %arg2[%add3A_59, %dma_start3A_60] : memref<320000x128xf32, #tpu.memory_space<hbm>> -> memref<80x128xf32, #tpu.memory_space<hbm>>
    %dma_start3A_62 = arith.constant 0 : i32
    %dma_start3A_63 = tpu.memref_slice %arg2[%add3A_59, %dma_start3A_62] : memref<320000x128xf32, #tpu.memory_space<hbm>> -> memref<80x128xf32, #tpu.memory_space<hbm>>
    tpu.enqueue_dma source(%dma_start3A_63 : memref<80x128xf32, #tpu.memory_space<hbm>>) target(%arg11 : memref<80x128xf32, #tpu.memory_space<vmem>>) target_semaphore(%arg21 : memref<!tpu.dma_semaphore, #tpu.memory_space<semaphore_mem>>)
    %add3A_64 = arith.constant 320000 : i32
    %add3A_65 = arith.addi %add3A_64, %mul3A_4 : i32
    %add3A_66 = arith.constant 160 : i32
    %add3A_67 = arith.addi %add3A_65, %add3A_66 : i32
    %dma_start3A_68 = tpu.memref_slice %arg3[%add3A_67] : memref<640000xi32, #tpu.memory_space<hbm>> -> memref<80xi32, #tpu.memory_space<hbm>>
    %dma_start3A_69 = tpu.memref_slice %arg3[%add3A_67] : memref<640000xi32, #tpu.memory_space<hbm>> -> memref<80xi32, #tpu.memory_space<hbm>>
    tpu.enqueue_dma source(%dma_start3A_69 : memref<80xi32, #tpu.memory_space<hbm>>) target(%arg14 : memref<80xi32, #tpu.memory_space<vmem>>) target_semaphore(%arg21 : memref<!tpu.dma_semaphore, #tpu.memory_space<semaphore_mem>>)
    %scan3A = arith.constant 0 : i32
    %scan3A_70 = arith.constant 40 : i32
    %scan3A_71 = arith.addi %scan3A, %scan3A_70 : i32
    %scan3A_72 = arith.constant 1 : i32
    scf.for %scan3A_535 = %scan3A to %scan3A_71 step %scan3A_72  : i32 {
      %mul3A_536 = arith.constant 3 : i32
      %mul3A_537 = arith.muli %scan3A_535, %mul3A_536 : i32
      %add3A_538 = arith.constant 1 : i32
      %add3A_539 = arith.addi %add3A_538, %mul3A_537 : i32
      %mul3A_540 = arith.constant 80 : i32
      %mul3A_541 = arith.muli %add3A_539, %mul3A_540 : i32
      %add3A_542 = arith.addi %mul3A_4, %mul3A_541 : i32
      %dma_wait3A_543 = arith.constant 0 : i32
      %dma_wait3A_544 = tpu.memref_slice %arg2[%add3A_542, %dma_wait3A_543] : memref<320000x128xf32, #tpu.memory_space<hbm>> -> memref<80x128xf32, #tpu.memory_space<hbm>>
      %dma_wait3A_545 = arith.constant 0 : i32
      %dma_wait3A_546 = tpu.memref_slice %arg2[%add3A_542, %dma_wait3A_545] : memref<320000x128xf32, #tpu.memory_space<hbm>> -> memref<80x128xf32, #tpu.memory_space<hbm>>
      tpu.wait_dma2 semaphore(%arg20 : memref<!tpu.dma_semaphore, #tpu.memory_space<semaphore_mem>>) src(%dma_wait3A_546 : memref<80x128xf32, #tpu.memory_space<hbm>>) dst(%arg10 : memref<80x128xf32, #tpu.memory_space<vmem>>)
      %add3A_547 = arith.constant 320000 : i32
      %add3A_548 = arith.addi %add3A_547, %mul3A_4 : i32
      %mul3A_549 = arith.constant 80 : i32
      %mul3A_550 = arith.muli %add3A_539, %mul3A_549 : i32
      %add3A_551 = arith.addi %add3A_548, %mul3A_550 : i32
      %dma_wait3A_552 = tpu.memref_slice %arg3[%add3A_551] : memref<640000xi32, #tpu.memory_space<hbm>> -> memref<80xi32, #tpu.memory_space<hbm>>
      %dma_wait3A_553 = tpu.memref_slice %arg3[%add3A_551] : memref<640000xi32, #tpu.memory_space<hbm>> -> memref<80xi32, #tpu.memory_space<hbm>>
      tpu.wait_dma2 semaphore(%arg20 : memref<!tpu.dma_semaphore, #tpu.memory_space<semaphore_mem>>) src(%dma_wait3A_553 : memref<80xi32, #tpu.memory_space<hbm>>) dst(%arg13 : memref<80xi32, #tpu.memory_space<vmem>>)
      %dma_start3A_554 = arith.constant 0 : i32
      %dma_start3A_555 = arith.constant 0 : i32
      %dma_start3A_556 = tpu.memref_slice %arg18[%dma_start3A_554, %dma_start3A_555] : memref<10240x128xf32, #tpu.memory_space<vmem_shared>> -> memref<10240x128xf32, #tpu.memory_space<vmem_shared>>
      tpu.enqueue_indirect_dma source(%arg10 : memref<80x128xf32, #tpu.memory_space<vmem>>) target(%dma_start3A_556 : memref<10240x128xf32, #tpu.memory_space<vmem_shared>>) offsets(%arg13 : memref<80xi32, #tpu.memory_space<vmem>>) semaphore(%arg23 : memref<!tpu.dma_semaphore, #tpu.memory_space<semaphore_mem>>) {add = true}
      %dma_wait3A_557 = arith.constant 0 : i32
      %dma_wait3A_558 = arith.constant 0 : i32
      %dma_wait3A_559 = tpu.memref_slice %arg18[%dma_wait3A_557, %dma_wait3A_558] : memref<10240x128xf32, #tpu.memory_space<vmem_shared>> -> memref<10240x128xf32, #tpu.memory_space<vmem_shared>>
      tpu.wait_indirect_dma semaphore(%arg22 : memref<!tpu.dma_semaphore, #tpu.memory_space<semaphore_mem>>) src(%arg9 : memref<80x128xf32, #tpu.memory_space<vmem>>) dst(%dma_wait3A_559 : memref<10240x128xf32, #tpu.memory_space<vmem_shared>>)
      %add3A_560 = arith.constant 2 : i32
      %add3A_561 = arith.addi %add3A_539, %add3A_560 : i32
      %mul3A_562 = arith.constant 80 : i32
      %mul3A_563 = arith.muli %add3A_561, %mul3A_562 : i32
      %add3A_564 = arith.addi %mul3A_4, %mul3A_563 : i32
      %dma_start3A_565 = arith.constant 0 : i32
      %dma_start3A_566 = tpu.memref_slice %arg2[%add3A_564, %dma_start3A_565] : memref<320000x128xf32, #tpu.memory_space<hbm>> -> memref<80x128xf32, #tpu.memory_space<hbm>>
      %dma_start3A_567 = arith.constant 0 : i32
      %dma_start3A_568 = tpu.memref_slice %arg2[%add3A_564, %dma_start3A_567] : memref<320000x128xf32, #tpu.memory_space<hbm>> -> memref<80x128xf32, #tpu.memory_space<hbm>>
      tpu.enqueue_dma source(%dma_start3A_568 : memref<80x128xf32, #tpu.memory_space<hbm>>) target(%arg9 : memref<80x128xf32, #tpu.memory_space<vmem>>) target_semaphore(%arg19 : memref<!tpu.dma_semaphore, #tpu.memory_space<semaphore_mem>>)
      %add3A_569 = arith.constant 320000 : i32
      %add3A_570 = arith.addi %add3A_569, %mul3A_4 : i32
      %mul3A_571 = arith.constant 80 : i32
      %mul3A_572 = arith.muli %add3A_561, %mul3A_571 : i32
      %add3A_573 = arith.addi %add3A_570, %mul3A_572 : i32
      %dma_start3A_574 = tpu.memref_slice %arg3[%add3A_573] : memref<640000xi32, #tpu.memory_space<hbm>> -> memref<80xi32, #tpu.memory_space<hbm>>
      %dma_start3A_575 = tpu.memref_slice %arg3[%add3A_573] : memref<640000xi32, #tpu.memory_space<hbm>> -> memref<80xi32, #tpu.memory_space<hbm>>
      tpu.enqueue_dma source(%dma_start3A_575 : memref<80xi32, #tpu.memory_space<hbm>>) target(%arg12 : memref<80xi32, #tpu.memory_space<vmem>>) target_semaphore(%arg19 : memref<!tpu.dma_semaphore, #tpu.memory_space<semaphore_mem>>)
      %add3A_576 = arith.constant 1 : i32
      %add3A_577 = arith.addi %add3A_539, %add3A_576 : i32
      %mul3A_578 = arith.constant 80 : i32
      %mul3A_579 = arith.muli %add3A_577, %mul3A_578 : i32
      %add3A_580 = arith.addi %mul3A_4, %mul3A_579 : i32
      %dma_wait3A_581 = arith.constant 0 : i32
      %dma_wait3A_582 = tpu.memref_slice %arg2[%add3A_580, %dma_wait3A_581] : memref<320000x128xf32, #tpu.memory_space<hbm>> -> memref<80x128xf32, #tpu.memory_space<hbm>>
      %dma_wait3A_583 = arith.constant 0 : i32
      %dma_wait3A_584 = tpu.memref_slice %arg2[%add3A_580, %dma_wait3A_583] : memref<320000x128xf32, #tpu.memory_space<hbm>> -> memref<80x128xf32, #tpu.memory_space<hbm>>
      tpu.wait_dma2 semaphore(%arg21 : memref<!tpu.dma_semaphore, #tpu.memory_space<semaphore_mem>>) src(%dma_wait3A_584 : memref<80x128xf32, #tpu.memory_space<hbm>>) dst(%arg11 : memref<80x128xf32, #tpu.memory_space<vmem>>)
      %add3A_585 = arith.constant 320000 : i32
      %add3A_586 = arith.addi %add3A_585, %mul3A_4 : i32
      %mul3A_587 = arith.constant 80 : i32
      %mul3A_588 = arith.muli %add3A_577, %mul3A_587 : i32
      %add3A_589 = arith.addi %add3A_586, %mul3A_588 : i32
      %dma_wait3A_590 = tpu.memref_slice %arg3[%add3A_589] : memref<640000xi32, #tpu.memory_space<hbm>> -> memref<80xi32, #tpu.memory_space<hbm>>
      %dma_wait3A_591 = tpu.memref_slice %arg3[%add3A_589] : memref<640000xi32, #tpu.memory_space<hbm>> -> memref<80xi32, #tpu.memory_space<hbm>>
      tpu.wait_dma2 semaphore(%arg21 : memref<!tpu.dma_semaphore, #tpu.memory_space<semaphore_mem>>) src(%dma_wait3A_591 : memref<80xi32, #tpu.memory_space<hbm>>) dst(%arg14 : memref<80xi32, #tpu.memory_space<vmem>>)
      %dma_start3A_592 = arith.constant 0 : i32
      %dma_start3A_593 = arith.constant 0 : i32
      %dma_start3A_594 = tpu.memref_slice %arg18[%dma_start3A_592, %dma_start3A_593] : memref<10240x128xf32, #tpu.memory_space<vmem_shared>> -> memref<10240x128xf32, #tpu.memory_space<vmem_shared>>
      tpu.enqueue_indirect_dma source(%arg11 : memref<80x128xf32, #tpu.memory_space<vmem>>) target(%dma_start3A_594 : memref<10240x128xf32, #tpu.memory_space<vmem_shared>>) offsets(%arg14 : memref<80xi32, #tpu.memory_space<vmem>>) semaphore(%arg24 : memref<!tpu.dma_semaphore, #tpu.memory_space<semaphore_mem>>) {add = true}
      %dma_wait3A_595 = arith.constant 0 : i32
      %dma_wait3A_596 = arith.constant 0 : i32
      %dma_wait3A_597 = tpu.memref_slice %arg18[%dma_wait3A_595, %dma_wait3A_596] : memref<10240x128xf32, #tpu.memory_space<vmem_shared>> -> memref<10240x128xf32, #tpu.memory_space<vmem_shared>>
      tpu.wait_indirect_dma semaphore(%arg23 : memref<!tpu.dma_semaphore, #tpu.memory_space<semaphore_mem>>) src(%arg10 : memref<80x128xf32, #tpu.memory_space<vmem>>) dst(%dma_wait3A_597 : memref<10240x128xf32, #tpu.memory_space<vmem_shared>>)
      %add3A_598 = arith.constant 2 : i32
      %add3A_599 = arith.addi %add3A_577, %add3A_598 : i32
      %mul3A_600 = arith.constant 80 : i32
      %mul3A_601 = arith.muli %add3A_599, %mul3A_600 : i32
      %add3A_602 = arith.addi %mul3A_4, %mul3A_601 : i32
      %dma_start3A_603 = arith.constant 0 : i32
      %dma_start3A_604 = tpu.memref_slice %arg2[%add3A_602, %dma_start3A_603] : memref<320000x128xf32, #tpu.memory_space<hbm>> -> memref<80x128xf32, #tpu.memory_space<hbm>>
      %dma_start3A_605 = arith.constant 0 : i32
      %dma_start3A_606 = tpu.memref_slice %arg2[%add3A_602, %dma_start3A_605] : memref<320000x128xf32, #tpu.memory_space<hbm>> -> memref<80x128xf32, #tpu.memory_space<hbm>>
      tpu.enqueue_dma source(%dma_start3A_606 : memref<80x128xf32, #tpu.memory_space<hbm>>) target(%arg10 : memref<80x128xf32, #tpu.memory_space<vmem>>) target_semaphore(%arg20 : memref<!tpu.dma_semaphore, #tpu.memory_space<semaphore_mem>>)
      %add3A_607 = arith.constant 320000 : i32
      %add3A_608 = arith.addi %add3A_607, %mul3A_4 : i32
      %mul3A_609 = arith.constant 80 : i32
      %mul3A_610 = arith.muli %add3A_599, %mul3A_609 : i32
      %add3A_611 = arith.addi %add3A_608, %mul3A_610 : i32
      %dma_start3A_612 = tpu.memref_slice %arg3[%add3A_611] : memref<640000xi32, #tpu.memory_space<hbm>> -> memref<80xi32, #tpu.memory_space<hbm>>
      %dma_start3A_613 = tpu.memref_slice %arg3[%add3A_611] : memref<640000xi32, #tpu.memory_space<hbm>> -> memref<80xi32, #tpu.memory_space<hbm>>
      tpu.enqueue_dma source(%dma_start3A_613 : memref<80xi32, #tpu.memory_space<hbm>>) target(%arg13 : memref<80xi32, #tpu.memory_space<vmem>>) target_semaphore(%arg20 : memref<!tpu.dma_semaphore, #tpu.memory_space<semaphore_mem>>)
      %add3A_614 = arith.constant 2 : i32
      %add3A_615 = arith.addi %add3A_539, %add3A_614 : i32
      %mul3A_616 = arith.constant 80 : i32
      %mul3A_617 = arith.muli %add3A_615, %mul3A_616 : i32
      %add3A_618 = arith.addi %mul3A_4, %mul3A_617 : i32
      %dma_wait3A_619 = arith.constant 0 : i32
      %dma_wait3A_620 = tpu.memref_slice %arg2[%add3A_618, %dma_wait3A_619] : memref<320000x128xf32, #tpu.memory_space<hbm>> -> memref<80x128xf32, #tpu.memory_space<hbm>>
      %dma_wait3A_621 = arith.constant 0 : i32
      %dma_wait3A_622 = tpu.memref_slice %arg2[%add3A_618, %dma_wait3A_621] : memref<320000x128xf32, #tpu.memory_space<hbm>> -> memref<80x128xf32, #tpu.memory_space<hbm>>
      tpu.wait_dma2 semaphore(%arg19 : memref<!tpu.dma_semaphore, #tpu.memory_space<semaphore_mem>>) src(%dma_wait3A_622 : memref<80x128xf32, #tpu.memory_space<hbm>>) dst(%arg9 : memref<80x128xf32, #tpu.memory_space<vmem>>)
      %add3A_623 = arith.constant 320000 : i32
      %add3A_624 = arith.addi %add3A_623, %mul3A_4 : i32
      %mul3A_625 = arith.constant 80 : i32
      %mul3A_626 = arith.muli %add3A_615, %mul3A_625 : i32
      %add3A_627 = arith.addi %add3A_624, %mul3A_626 : i32
      %dma_wait3A_628 = tpu.memref_slice %arg3[%add3A_627] : memref<640000xi32, #tpu.memory_space<hbm>> -> memref<80xi32, #tpu.memory_space<hbm>>
      %dma_wait3A_629 = tpu.memref_slice %arg3[%add3A_627] : memref<640000xi32, #tpu.memory_space<hbm>> -> memref<80xi32, #tpu.memory_space<hbm>>
      tpu.wait_dma2 semaphore(%arg19 : memref<!tpu.dma_semaphore, #tpu.memory_space<semaphore_mem>>) src(%dma_wait3A_629 : memref<80xi32, #tpu.memory_space<hbm>>) dst(%arg12 : memref<80xi32, #tpu.memory_space<vmem>>)
      %dma_start3A_630 = arith.constant 0 : i32
      %dma_start3A_631 = arith.constant 0 : i32
      %dma_start3A_632 = tpu.memref_slice %arg18[%dma_start3A_630, %dma_start3A_631] : memref<10240x128xf32, #tpu.memory_space<vmem_shared>> -> memref<10240x128xf32, #tpu.memory_space<vmem_shared>>
      tpu.enqueue_indirect_dma source(%arg9 : memref<80x128xf32, #tpu.memory_space<vmem>>) target(%dma_start3A_632 : memref<10240x128xf32, #tpu.memory_space<vmem_shared>>) offsets(%arg12 : memref<80xi32, #tpu.memory_space<vmem>>) semaphore(%arg22 : memref<!tpu.dma_semaphore, #tpu.memory_space<semaphore_mem>>) {add = true}
      %dma_wait3A_633 = arith.constant 0 : i32
      %dma_wait3A_634 = arith.constant 0 : i32
      %dma_wait3A_635 = tpu.memref_slice %arg18[%dma_wait3A_633, %dma_wait3A_634] : memref<10240x128xf32, #tpu.memory_space<vmem_shared>> -> memref<10240x128xf32, #tpu.memory_space<vmem_shared>>
      tpu.wait_indirect_dma semaphore(%arg24 : memref<!tpu.dma_semaphore, #tpu.memory_space<semaphore_mem>>) src(%arg11 : memref<80x128xf32, #tpu.memory_space<vmem>>) dst(%dma_wait3A_635 : memref<10240x128xf32, #tpu.memory_space<vmem_shared>>)
      %add3A_636 = arith.constant 2 : i32
      %add3A_637 = arith.addi %add3A_615, %add3A_636 : i32
      %mul3A_638 = arith.constant 80 : i32
      %mul3A_639 = arith.muli %add3A_637, %mul3A_638 : i32
      %add3A_640 = arith.addi %mul3A_4, %mul3A_639 : i32
      %dma_start3A_641 = arith.constant 0 : i32
      %dma_start3A_642 = tpu.memref_slice %arg2[%add3A_640, %dma_start3A_641] : memref<320000x128xf32, #tpu.memory_space<hbm>> -> memref<80x128xf32, #tpu.memory_space<hbm>>
      %dma_start3A_643 = arith.constant 0 : i32
      %dma_start3A_644 = tpu.memref_slice %arg2[%add3A_640, %dma_start3A_643] : memref<320000x128xf32, #tpu.memory_space<hbm>> -> memref<80x128xf32, #tpu.memory_space<hbm>>
      tpu.enqueue_dma source(%dma_start3A_644 : memref<80x128xf32, #tpu.memory_space<hbm>>) target(%arg11 : memref<80x128xf32, #tpu.memory_space<vmem>>) target_semaphore(%arg21 : memref<!tpu.dma_semaphore, #tpu.memory_space<semaphore_mem>>)
      %add3A_645 = arith.constant 320000 : i32
      %add3A_646 = arith.addi %add3A_645, %mul3A_4 : i32
      %mul3A_647 = arith.constant 80 : i32
      %mul3A_648 = arith.muli %add3A_637, %mul3A_647 : i32
      %add3A_649 = arith.addi %add3A_646, %mul3A_648 : i32
      %dma_start3A_650 = tpu.memref_slice %arg3[%add3A_649] : memref<640000xi32, #tpu.memory_space<hbm>> -> memref<80xi32, #tpu.memory_space<hbm>>
      %dma_start3A_651 = tpu.memref_slice %arg3[%add3A_649] : memref<640000xi32, #tpu.memory_space<hbm>> -> memref<80xi32, #tpu.memory_space<hbm>>
      tpu.enqueue_dma source(%dma_start3A_651 : memref<80xi32, #tpu.memory_space<hbm>>) target(%arg14 : memref<80xi32, #tpu.memory_space<vmem>>) target_semaphore(%arg21 : memref<!tpu.dma_semaphore, #tpu.memory_space<semaphore_mem>>)
    }
    %scan3A_73 = arith.constant 40 : i32
    %add3A_74 = arith.constant 9680 : i32
    %add3A_75 = arith.addi %mul3A_4, %add3A_74 : i32
    %dma_wait3A_76 = arith.constant 0 : i32
    %dma_wait3A_77 = tpu.memref_slice %arg2[%add3A_75, %dma_wait3A_76] : memref<320000x128xf32, #tpu.memory_space<hbm>> -> memref<80x128xf32, #tpu.memory_space<hbm>>
    %dma_wait3A_78 = arith.constant 0 : i32
    %dma_wait3A_79 = tpu.memref_slice %arg2[%add3A_75, %dma_wait3A_78] : memref<320000x128xf32, #tpu.memory_space<hbm>> -> memref<80x128xf32, #tpu.memory_space<hbm>>
    tpu.wait_dma2 semaphore(%arg20 : memref<!tpu.dma_semaphore, #tpu.memory_space<semaphore_mem>>) src(%dma_wait3A_79 : memref<80x128xf32, #tpu.memory_space<hbm>>) dst(%arg10 : memref<80x128xf32, #tpu.memory_space<vmem>>)
    %add3A_80 = arith.constant 320000 : i32
    %add3A_81 = arith.addi %add3A_80, %mul3A_4 : i32
    %add3A_82 = arith.constant 9680 : i32
    %add3A_83 = arith.addi %add3A_81, %add3A_82 : i32
    %dma_wait3A_84 = tpu.memref_slice %arg3[%add3A_83] : memref<640000xi32, #tpu.memory_space<hbm>> -> memref<80xi32, #tpu.memory_space<hbm>>
    %dma_wait3A_85 = tpu.memref_slice %arg3[%add3A_83] : memref<640000xi32, #tpu.memory_space<hbm>> -> memref<80xi32, #tpu.memory_space<hbm>>
    tpu.wait_dma2 semaphore(%arg20 : memref<!tpu.dma_semaphore, #tpu.memory_space<semaphore_mem>>) src(%dma_wait3A_85 : memref<80xi32, #tpu.memory_space<hbm>>) dst(%arg13 : memref<80xi32, #tpu.memory_space<vmem>>)
    %dma_start3A_86 = arith.constant 0 : i32
    %dma_start3A_87 = arith.constant 0 : i32
    %dma_start3A_88 = tpu.memref_slice %arg18[%dma_start3A_86, %dma_start3A_87] : memref<10240x128xf32, #tpu.memory_space<vmem_shared>> -> memref<10240x128xf32, #tpu.memory_space<vmem_shared>>
    tpu.enqueue_indirect_dma source(%arg10 : memref<80x128xf32, #tpu.memory_space<vmem>>) target(%dma_start3A_88 : memref<10240x128xf32, #tpu.memory_space<vmem_shared>>) offsets(%arg13 : memref<80xi32, #tpu.memory_space<vmem>>) semaphore(%arg23 : memref<!tpu.dma_semaphore, #tpu.memory_space<semaphore_mem>>) {add = true}
    %dma_wait3A_89 = arith.constant 0 : i32
    %dma_wait3A_90 = arith.constant 0 : i32
    %dma_wait3A_91 = tpu.memref_slice %arg18[%dma_wait3A_89, %dma_wait3A_90] : memref<10240x128xf32, #tpu.memory_space<vmem_shared>> -> memref<10240x128xf32, #tpu.memory_space<vmem_shared>>
    tpu.wait_indirect_dma semaphore(%arg22 : memref<!tpu.dma_semaphore, #tpu.memory_space<semaphore_mem>>) src(%arg9 : memref<80x128xf32, #tpu.memory_space<vmem>>) dst(%dma_wait3A_91 : memref<10240x128xf32, #tpu.memory_space<vmem_shared>>)
    %add3A_92 = arith.constant 9840 : i32
    %add3A_93 = arith.addi %mul3A_4, %add3A_92 : i32
    %dma_start3A_94 = arith.constant 0 : i32
    %dma_start3A_95 = tpu.memref_slice %arg2[%add3A_93, %dma_start3A_94] : memref<320000x128xf32, #tpu.memory_space<hbm>> -> memref<80x128xf32, #tpu.memory_space<hbm>>
    %dma_start3A_96 = arith.constant 0 : i32
    %dma_start3A_97 = tpu.memref_slice %arg2[%add3A_93, %dma_start3A_96] : memref<320000x128xf32, #tpu.memory_space<hbm>> -> memref<80x128xf32, #tpu.memory_space<hbm>>
    tpu.enqueue_dma source(%dma_start3A_97 : memref<80x128xf32, #tpu.memory_space<hbm>>) target(%arg9 : memref<80x128xf32, #tpu.memory_space<vmem>>) target_semaphore(%arg19 : memref<!tpu.dma_semaphore, #tpu.memory_space<semaphore_mem>>)
    %add3A_98 = arith.constant 320000 : i32
    %add3A_99 = arith.addi %add3A_98, %mul3A_4 : i32
    %add3A_100 = arith.constant 9840 : i32
    %add3A_101 = arith.addi %add3A_99, %add3A_100 : i32
    %dma_start3A_102 = tpu.memref_slice %arg3[%add3A_101] : memref<640000xi32, #tpu.memory_space<hbm>> -> memref<80xi32, #tpu.memory_space<hbm>>
    %dma_start3A_103 = tpu.memref_slice %arg3[%add3A_101] : memref<640000xi32, #tpu.memory_space<hbm>> -> memref<80xi32, #tpu.memory_space<hbm>>
    tpu.enqueue_dma source(%dma_start3A_103 : memref<80xi32, #tpu.memory_space<hbm>>) target(%arg12 : memref<80xi32, #tpu.memory_space<vmem>>) target_semaphore(%arg19 : memref<!tpu.dma_semaphore, #tpu.memory_space<semaphore_mem>>)
    %add3A_104 = arith.constant 9760 : i32
    %add3A_105 = arith.addi %mul3A_4, %add3A_104 : i32
    %dma_wait3A_106 = arith.constant 0 : i32
    %dma_wait3A_107 = tpu.memref_slice %arg2[%add3A_105, %dma_wait3A_106] : memref<320000x128xf32, #tpu.memory_space<hbm>> -> memref<80x128xf32, #tpu.memory_space<hbm>>
    %dma_wait3A_108 = arith.constant 0 : i32
    %dma_wait3A_109 = tpu.memref_slice %arg2[%add3A_105, %dma_wait3A_108] : memref<320000x128xf32, #tpu.memory_space<hbm>> -> memref<80x128xf32, #tpu.memory_space<hbm>>
    tpu.wait_dma2 semaphore(%arg21 : memref<!tpu.dma_semaphore, #tpu.memory_space<semaphore_mem>>) src(%dma_wait3A_109 : memref<80x128xf32, #tpu.memory_space<hbm>>) dst(%arg11 : memref<80x128xf32, #tpu.memory_space<vmem>>)
    %add3A_110 = arith.constant 320000 : i32
    %add3A_111 = arith.addi %add3A_110, %mul3A_4 : i32
    %add3A_112 = arith.constant 9760 : i32
    %add3A_113 = arith.addi %add3A_111, %add3A_112 : i32
    %dma_wait3A_114 = tpu.memref_slice %arg3[%add3A_113] : memref<640000xi32, #tpu.memory_space<hbm>> -> memref<80xi32, #tpu.memory_space<hbm>>
    %dma_wait3A_115 = tpu.memref_slice %arg3[%add3A_113] : memref<640000xi32, #tpu.memory_space<hbm>> -> memref<80xi32, #tpu.memory_space<hbm>>
    tpu.wait_dma2 semaphore(%arg21 : memref<!tpu.dma_semaphore, #tpu.memory_space<semaphore_mem>>) src(%dma_wait3A_115 : memref<80xi32, #tpu.memory_space<hbm>>) dst(%arg14 : memref<80xi32, #tpu.memory_space<vmem>>)
    %dma_start3A_116 = arith.constant 0 : i32
    %dma_start3A_117 = arith.constant 0 : i32
    %dma_start3A_118 = tpu.memref_slice %arg18[%dma_start3A_116, %dma_start3A_117] : memref<10240x128xf32, #tpu.memory_space<vmem_shared>> -> memref<10240x128xf32, #tpu.memory_space<vmem_shared>>
    tpu.enqueue_indirect_dma source(%arg11 : memref<80x128xf32, #tpu.memory_space<vmem>>) target(%dma_start3A_118 : memref<10240x128xf32, #tpu.memory_space<vmem_shared>>) offsets(%arg14 : memref<80xi32, #tpu.memory_space<vmem>>) semaphore(%arg24 : memref<!tpu.dma_semaphore, #tpu.memory_space<semaphore_mem>>) {add = true}
    %dma_wait3A_119 = arith.constant 0 : i32
    %dma_wait3A_120 = arith.constant 0 : i32
    %dma_wait3A_121 = tpu.memref_slice %arg18[%dma_wait3A_119, %dma_wait3A_120] : memref<10240x128xf32, #tpu.memory_space<vmem_shared>> -> memref<10240x128xf32, #tpu.memory_space<vmem_shared>>
    tpu.wait_indirect_dma semaphore(%arg23 : memref<!tpu.dma_semaphore, #tpu.memory_space<semaphore_mem>>) src(%arg10 : memref<80x128xf32, #tpu.memory_space<vmem>>) dst(%dma_wait3A_121 : memref<10240x128xf32, #tpu.memory_space<vmem_shared>>)
    %add3A_122 = arith.constant 9920 : i32
    %add3A_123 = arith.addi %mul3A_4, %add3A_122 : i32
    %dma_start3A_124 = arith.constant 0 : i32
    %dma_start3A_125 = tpu.memref_slice %arg2[%add3A_123, %dma_start3A_124] : memref<320000x128xf32, #tpu.memory_space<hbm>> -> memref<80x128xf32, #tpu.memory_space<hbm>>
    %dma_start3A_126 = arith.constant 0 : i32
    %dma_start3A_127 = tpu.memref_slice %arg2[%add3A_123, %dma_start3A_126] : memref<320000x128xf32, #tpu.memory_space<hbm>> -> memref<80x128xf32, #tpu.memory_space<hbm>>
    tpu.enqueue_dma source(%dma_start3A_127 : memref<80x128xf32, #tpu.memory_space<hbm>>) target(%arg10 : memref<80x128xf32, #tpu.memory_space<vmem>>) target_semaphore(%arg20 : memref<!tpu.dma_semaphore, #tpu.memory_space<semaphore_mem>>)
    %add3A_128 = arith.constant 320000 : i32
    %add3A_129 = arith.addi %add3A_128, %mul3A_4 : i32
    %add3A_130 = arith.constant 9920 : i32
    %add3A_131 = arith.addi %add3A_129, %add3A_130 : i32
    %dma_start3A_132 = tpu.memref_slice %arg3[%add3A_131] : memref<640000xi32, #tpu.memory_space<hbm>> -> memref<80xi32, #tpu.memory_space<hbm>>
    %dma_start3A_133 = tpu.memref_slice %arg3[%add3A_131] : memref<640000xi32, #tpu.memory_space<hbm>> -> memref<80xi32, #tpu.memory_space<hbm>>
    tpu.enqueue_dma source(%dma_start3A_133 : memref<80xi32, #tpu.memory_space<hbm>>) target(%arg13 : memref<80xi32, #tpu.memory_space<vmem>>) target_semaphore(%arg20 : memref<!tpu.dma_semaphore, #tpu.memory_space<semaphore_mem>>)
    %add3A_134 = arith.constant 9840 : i32
    %add3A_135 = arith.addi %mul3A_4, %add3A_134 : i32
    %dma_wait3A_136 = arith.constant 0 : i32
    %dma_wait3A_137 = tpu.memref_slice %arg2[%add3A_135, %dma_wait3A_136] : memref<320000x128xf32, #tpu.memory_space<hbm>> -> memref<80x128xf32, #tpu.memory_space<hbm>>
    %dma_wait3A_138 = arith.constant 0 : i32
    %dma_wait3A_139 = tpu.memref_slice %arg2[%add3A_135, %dma_wait3A_138] : memref<320000x128xf32, #tpu.memory_space<hbm>> -> memref<80x128xf32, #tpu.memory_space<hbm>>
    tpu.wait_dma2 semaphore(%arg19 : memref<!tpu.dma_semaphore, #tpu.memory_space<semaphore_mem>>) src(%dma_wait3A_139 : memref<80x128xf32, #tpu.memory_space<hbm>>) dst(%arg9 : memref<80x128xf32, #tpu.memory_space<vmem>>)
    %add3A_140 = arith.constant 320000 : i32
    %add3A_141 = arith.addi %add3A_140, %mul3A_4 : i32
    %add3A_142 = arith.constant 9840 : i32
    %add3A_143 = arith.addi %add3A_141, %add3A_142 : i32
    %dma_wait3A_144 = tpu.memref_slice %arg3[%add3A_143] : memref<640000xi32, #tpu.memory_space<hbm>> -> memref<80xi32, #tpu.memory_space<hbm>>
    %dma_wait3A_145 = tpu.memref_slice %arg3[%add3A_143] : memref<640000xi32, #tpu.memory_space<hbm>> -> memref<80xi32, #tpu.memory_space<hbm>>
    tpu.wait_dma2 semaphore(%arg19 : memref<!tpu.dma_semaphore, #tpu.memory_space<semaphore_mem>>) src(%dma_wait3A_145 : memref<80xi32, #tpu.memory_space<hbm>>) dst(%arg12 : memref<80xi32, #tpu.memory_space<vmem>>)
    %dma_start3A_146 = arith.constant 0 : i32
    %dma_start3A_147 = arith.constant 0 : i32
    %dma_start3A_148 = tpu.memref_slice %arg18[%dma_start3A_146, %dma_start3A_147] : memref<10240x128xf32, #tpu.memory_space<vmem_shared>> -> memref<10240x128xf32, #tpu.memory_space<vmem_shared>>
    tpu.enqueue_indirect_dma source(%arg9 : memref<80x128xf32, #tpu.memory_space<vmem>>) target(%dma_start3A_148 : memref<10240x128xf32, #tpu.memory_space<vmem_shared>>) offsets(%arg12 : memref<80xi32, #tpu.memory_space<vmem>>) semaphore(%arg22 : memref<!tpu.dma_semaphore, #tpu.memory_space<semaphore_mem>>) {add = true}
    %dma_wait3A_149 = arith.constant 0 : i32
    %dma_wait3A_150 = arith.constant 0 : i32
    %dma_wait3A_151 = tpu.memref_slice %arg18[%dma_wait3A_149, %dma_wait3A_150] : memref<10240x128xf32, #tpu.memory_space<vmem_shared>> -> memref<10240x128xf32, #tpu.memory_space<vmem_shared>>
    tpu.wait_indirect_dma semaphore(%arg24 : memref<!tpu.dma_semaphore, #tpu.memory_space<semaphore_mem>>) src(%arg11 : memref<80x128xf32, #tpu.memory_space<vmem>>) dst(%dma_wait3A_151 : memref<10240x128xf32, #tpu.memory_space<vmem_shared>>)
    %add3A_152 = arith.constant 9920 : i32
    %add3A_153 = arith.addi %mul3A_4, %add3A_152 : i32
    %dma_wait3A_154 = arith.constant 0 : i32
    %dma_wait3A_155 = tpu.memref_slice %arg2[%add3A_153, %dma_wait3A_154] : memref<320000x128xf32, #tpu.memory_space<hbm>> -> memref<80x128xf32, #tpu.memory_space<hbm>>
    %dma_wait3A_156 = arith.constant 0 : i32
    %dma_wait3A_157 = tpu.memref_slice %arg2[%add3A_153, %dma_wait3A_156] : memref<320000x128xf32, #tpu.memory_space<hbm>> -> memref<80x128xf32, #tpu.memory_space<hbm>>
    tpu.wait_dma2 semaphore(%arg20 : memref<!tpu.dma_semaphore, #tpu.memory_space<semaphore_mem>>) src(%dma_wait3A_157 : memref<80x128xf32, #tpu.memory_space<hbm>>) dst(%arg10 : memref<80x128xf32, #tpu.memory_space<vmem>>)
    %add3A_158 = arith.constant 320000 : i32
    %add3A_159 = arith.addi %add3A_158, %mul3A_4 : i32
    %add3A_160 = arith.constant 9920 : i32
    %add3A_161 = arith.addi %add3A_159, %add3A_160 : i32
    %dma_wait3A_162 = tpu.memref_slice %arg3[%add3A_161] : memref<640000xi32, #tpu.memory_space<hbm>> -> memref<80xi32, #tpu.memory_space<hbm>>
    %dma_wait3A_163 = tpu.memref_slice %arg3[%add3A_161] : memref<640000xi32, #tpu.memory_space<hbm>> -> memref<80xi32, #tpu.memory_space<hbm>>
    tpu.wait_dma2 semaphore(%arg20 : memref<!tpu.dma_semaphore, #tpu.memory_space<semaphore_mem>>) src(%dma_wait3A_163 : memref<80xi32, #tpu.memory_space<hbm>>) dst(%arg13 : memref<80xi32, #tpu.memory_space<vmem>>)
    %dma_start3A_164 = arith.constant 0 : i32
    %dma_start3A_165 = arith.constant 0 : i32
    %dma_start3A_166 = tpu.memref_slice %arg18[%dma_start3A_164, %dma_start3A_165] : memref<10240x128xf32, #tpu.memory_space<vmem_shared>> -> memref<10240x128xf32, #tpu.memory_space<vmem_shared>>
    tpu.enqueue_indirect_dma source(%arg10 : memref<80x128xf32, #tpu.memory_space<vmem>>) target(%dma_start3A_166 : memref<10240x128xf32, #tpu.memory_space<vmem_shared>>) offsets(%arg13 : memref<80xi32, #tpu.memory_space<vmem>>) semaphore(%arg23 : memref<!tpu.dma_semaphore, #tpu.memory_space<semaphore_mem>>) {add = true}
    %dma_wait3A_167 = arith.constant 0 : i32
    %dma_wait3A_168 = arith.constant 0 : i32
    %dma_wait3A_169 = tpu.memref_slice %arg18[%dma_wait3A_167, %dma_wait3A_168] : memref<10240x128xf32, #tpu.memory_space<vmem_shared>> -> memref<10240x128xf32, #tpu.memory_space<vmem_shared>>
    tpu.wait_indirect_dma semaphore(%arg22 : memref<!tpu.dma_semaphore, #tpu.memory_space<semaphore_mem>>) src(%arg9 : memref<80x128xf32, #tpu.memory_space<vmem>>) dst(%dma_wait3A_169 : memref<10240x128xf32, #tpu.memory_space<vmem_shared>>)
    %dma_wait3A_170 = arith.constant 0 : i32
    %dma_wait3A_171 = arith.constant 0 : i32
    %dma_wait3A_172 = tpu.memref_slice %arg18[%dma_wait3A_170, %dma_wait3A_171] : memref<10240x128xf32, #tpu.memory_space<vmem_shared>> -> memref<10240x128xf32, #tpu.memory_space<vmem_shared>>
    tpu.wait_indirect_dma semaphore(%arg23 : memref<!tpu.dma_semaphore, #tpu.memory_space<semaphore_mem>>) src(%arg10 : memref<80x128xf32, #tpu.memory_space<vmem>>) dst(%dma_wait3A_172 : memref<10240x128xf32, #tpu.memory_space<vmem_shared>>)
    %mul3A_173 = arith.constant 1000 : i32
    %mul3A_174 = arith.muli %add3A, %mul3A_173 : i32
    %add3A_175 = arith.constant 0 : i32
    %add3A_176 = arith.addi %mul3A_174, %add3A_175 : i32
    %dma_start3A_177 = arith.constant 0 : i32
    %dma_start3A_178 = arith.constant 0 : i32
    %dma_start3A_179 = tpu.memref_slice %arg9[%dma_start3A_177, %dma_start3A_178] : memref<80x128xf32, #tpu.memory_space<vmem>> -> memref<40x128xf32, #tpu.memory_space<vmem>>
    %dma_start3A_180 = arith.constant 0 : i32
    %dma_start3A_181 = tpu.memref_slice %arg4[%add3A_176, %dma_start3A_180] : memref<32000x128xf32, #tpu.memory_space<hbm>> -> memref<40x128xf32, #tpu.memory_space<hbm>>
    %dma_start3A_182 = arith.constant 0 : i32
    %dma_start3A_183 = arith.constant 0 : i32
    %dma_start3A_184 = tpu.memref_slice %arg9[%dma_start3A_182, %dma_start3A_183] : memref<80x128xf32, #tpu.memory_space<vmem>> -> memref<40x128xf32, #tpu.memory_space<vmem>>
    %dma_start3A_185 = arith.constant 0 : i32
    %dma_start3A_186 = tpu.memref_slice %arg4[%add3A_176, %dma_start3A_185] : memref<32000x128xf32, #tpu.memory_space<hbm>> -> memref<40x128xf32, #tpu.memory_space<hbm>>
    tpu.enqueue_dma source(%dma_start3A_186 : memref<40x128xf32, #tpu.memory_space<hbm>>) target(%dma_start3A_184 : memref<40x128xf32, #tpu.memory_space<vmem>>) target_semaphore(%arg19 : memref<!tpu.dma_semaphore, #tpu.memory_space<semaphore_mem>>)
    %add3A_187 = arith.constant 32000 : i32
    %add3A_188 = arith.addi %add3A_187, %mul3A_174 : i32
    %add3A_189 = arith.constant 0 : i32
    %add3A_190 = arith.addi %add3A_188, %add3A_189 : i32
    %dma_start3A_191 = tpu.memref_slice %arg5[%add3A_190] : memref<64000xi32, #tpu.memory_space<hbm>> -> memref<40xi32, #tpu.memory_space<hbm>>
    %dma_start3A_192 = tpu.memref_slice %arg5[%add3A_190] : memref<64000xi32, #tpu.memory_space<hbm>> -> memref<40xi32, #tpu.memory_space<hbm>>
    tpu.enqueue_dma source(%dma_start3A_192 : memref<40xi32, #tpu.memory_space<hbm>>) target(%arg15 : memref<40xi32, #tpu.memory_space<vmem>>) target_semaphore(%arg19 : memref<!tpu.dma_semaphore, #tpu.memory_space<semaphore_mem>>)
    %add3A_193 = arith.constant 40 : i32
    %add3A_194 = arith.addi %mul3A_174, %add3A_193 : i32
    %dma_start3A_195 = arith.constant 0 : i32
    %dma_start3A_196 = arith.constant 0 : i32
    %dma_start3A_197 = tpu.memref_slice %arg10[%dma_start3A_195, %dma_start3A_196] : memref<80x128xf32, #tpu.memory_space<vmem>> -> memref<40x128xf32, #tpu.memory_space<vmem>>
    %dma_start3A_198 = arith.constant 0 : i32
    %dma_start3A_199 = tpu.memref_slice %arg4[%add3A_194, %dma_start3A_198] : memref<32000x128xf32, #tpu.memory_space<hbm>> -> memref<40x128xf32, #tpu.memory_space<hbm>>
    %dma_start3A_200 = arith.constant 0 : i32
    %dma_start3A_201 = arith.constant 0 : i32
    %dma_start3A_202 = tpu.memref_slice %arg10[%dma_start3A_200, %dma_start3A_201] : memref<80x128xf32, #tpu.memory_space<vmem>> -> memref<40x128xf32, #tpu.memory_space<vmem>>
    %dma_start3A_203 = arith.constant 0 : i32
    %dma_start3A_204 = tpu.memref_slice %arg4[%add3A_194, %dma_start3A_203] : memref<32000x128xf32, #tpu.memory_space<hbm>> -> memref<40x128xf32, #tpu.memory_space<hbm>>
    tpu.enqueue_dma source(%dma_start3A_204 : memref<40x128xf32, #tpu.memory_space<hbm>>) target(%dma_start3A_202 : memref<40x128xf32, #tpu.memory_space<vmem>>) target_semaphore(%arg20 : memref<!tpu.dma_semaphore, #tpu.memory_space<semaphore_mem>>)
    %add3A_205 = arith.constant 32000 : i32
    %add3A_206 = arith.addi %add3A_205, %mul3A_174 : i32
    %add3A_207 = arith.constant 40 : i32
    %add3A_208 = arith.addi %add3A_206, %add3A_207 : i32
    %dma_start3A_209 = tpu.memref_slice %arg5[%add3A_208] : memref<64000xi32, #tpu.memory_space<hbm>> -> memref<40xi32, #tpu.memory_space<hbm>>
    %dma_start3A_210 = tpu.memref_slice %arg5[%add3A_208] : memref<64000xi32, #tpu.memory_space<hbm>> -> memref<40xi32, #tpu.memory_space<hbm>>
    tpu.enqueue_dma source(%dma_start3A_210 : memref<40xi32, #tpu.memory_space<hbm>>) target(%arg16 : memref<40xi32, #tpu.memory_space<vmem>>) target_semaphore(%arg20 : memref<!tpu.dma_semaphore, #tpu.memory_space<semaphore_mem>>)
    %barrier3A_211 = arith.constant 0 : index
    tpu.barrier barrier_id(%barrier3A_211)
    "tpu.region"() ({
      %run_scoped3A = tpu.sem_alloc : memref<!tpu.dma_semaphore, #tpu.memory_space<semaphore_mem>>
      %dma_start3A_535 = arith.constant 0 : i32
      %dma_start3A_536 = tpu.memref_slice %arg7[%arg0, %mul3A_2, %dma_start3A_535] : memref<2x10240x128xf32, #tpu.memory_space<hbm>> -> memref<1x640x128xf32, #tpu.memory_space<hbm>>
      %dma_start3A_537 = tpu.memref_squeeze %dma_start3A_536 : memref<1x640x128xf32, #tpu.memory_space<hbm>> -> memref<640x128xf32, #tpu.memory_space<hbm>>
      %dma_start3A_538 = arith.constant 0 : i32
      %dma_start3A_539 = tpu.memref_slice %arg18[%mul3A_2, %dma_start3A_538] : memref<10240x128xf32, #tpu.memory_space<vmem_shared>> -> memref<640x128xf32, #tpu.memory_space<vmem_shared>>
      tpu.enqueue_dma source(%dma_start3A_539 : memref<640x128xf32, #tpu.memory_space<vmem_shared>>) target(%dma_start3A_537 : memref<640x128xf32, #tpu.memory_space<hbm>>) target_semaphore(%run_scoped3A : memref<!tpu.dma_semaphore, #tpu.memory_space<semaphore_mem>>)
      %dma_wait3A_540 = arith.constant 0 : i32
      %dma_wait3A_541 = tpu.memref_slice %arg7[%arg0, %mul3A_2, %dma_wait3A_540] : memref<2x10240x128xf32, #tpu.memory_space<hbm>> -> memref<1x640x128xf32, #tpu.memory_space<hbm>>
      %dma_wait3A_542 = tpu.memref_squeeze %dma_wait3A_541 : memref<1x640x128xf32, #tpu.memory_space<hbm>> -> memref<640x128xf32, #tpu.memory_space<hbm>>
      %dma_wait3A_543 = arith.constant 0 : i32
      %dma_wait3A_544 = tpu.memref_slice %arg18[%mul3A_2, %dma_wait3A_543] : memref<10240x128xf32, #tpu.memory_space<vmem_shared>> -> memref<640x128xf32, #tpu.memory_space<vmem_shared>>
      tpu.wait_dma2 semaphore(%run_scoped3A : memref<!tpu.dma_semaphore, #tpu.memory_space<semaphore_mem>>) src(%dma_wait3A_544 : memref<640x128xf32, #tpu.memory_space<vmem_shared>>) dst(%dma_wait3A_542 : memref<640x128xf32, #tpu.memory_space<hbm>>)
      tpu.yield
    }) : () -> ()
    "tpu.region"() ({
      %run_scoped3A = tpu.sem_alloc : memref<!tpu.dma_semaphore, #tpu.memory_space<semaphore_mem>>
      tpu.enqueue_dma source(%arg6 : memref<80x128xf32, #tpu.memory_space<hbm>>) target(%arg11 : memref<80x128xf32, #tpu.memory_space<vmem>>) target_semaphore(%run_scoped3A : memref<!tpu.dma_semaphore, #tpu.memory_space<semaphore_mem>>)
      tpu.wait_dma2 semaphore(%run_scoped3A : memref<!tpu.dma_semaphore, #tpu.memory_space<semaphore_mem>>) src(%arg6 : memref<80x128xf32, #tpu.memory_space<hbm>>) dst(%arg11 : memref<80x128xf32, #tpu.memory_space<vmem>>)
      tpu.yield
    }) : () -> ()
    %add3A_212 = arith.constant 0 : i32
    %add3A_213 = arith.addi %mul3A_2, %add3A_212 : i32
    "tpu.region"() ({
      %run_scoped3A = tpu.sem_alloc : memref<!tpu.dma_semaphore, #tpu.memory_space<semaphore_mem>>
      %dma_start3A_535 = arith.constant 0 : i32
      %dma_start3A_536 = tpu.memref_slice %arg18[%add3A_213, %dma_start3A_535] : memref<10240x128xf32, #tpu.memory_space<vmem_shared>> -> memref<80x128xf32, #tpu.memory_space<vmem_shared>>
      %dma_start3A_537 = arith.constant 0 : i32
      %dma_start3A_538 = tpu.memref_slice %arg18[%add3A_213, %dma_start3A_537] : memref<10240x128xf32, #tpu.memory_space<vmem_shared>> -> memref<80x128xf32, #tpu.memory_space<vmem_shared>>
      tpu.enqueue_dma source(%arg11 : memref<80x128xf32, #tpu.memory_space<vmem>>) target(%dma_start3A_538 : memref<80x128xf32, #tpu.memory_space<vmem_shared>>) target_semaphore(%run_scoped3A : memref<!tpu.dma_semaphore, #tpu.memory_space<semaphore_mem>>)
      %dma_wait3A_539 = arith.constant 0 : i32
      %dma_wait3A_540 = tpu.memref_slice %arg18[%add3A_213, %dma_wait3A_539] : memref<10240x128xf32, #tpu.memory_space<vmem_shared>> -> memref<80x128xf32, #tpu.memory_space<vmem_shared>>
      %dma_wait3A_541 = arith.constant 0 : i32
      %dma_wait3A_542 = tpu.memref_slice %arg18[%add3A_213, %dma_wait3A_541] : memref<10240x128xf32, #tpu.memory_space<vmem_shared>> -> memref<80x128xf32, #tpu.memory_space<vmem_shared>>
      tpu.wait_dma2 semaphore(%run_scoped3A : memref<!tpu.dma_semaphore, #tpu.memory_space<semaphore_mem>>) src(%arg11 : memref<80x128xf32, #tpu.memory_space<vmem>>) dst(%dma_wait3A_542 : memref<80x128xf32, #tpu.memory_space<vmem_shared>>)
      tpu.yield
    }) : () -> ()
    %add3A_214 = arith.constant 80 : i32
    %add3A_215 = arith.addi %mul3A_2, %add3A_214 : i32
    "tpu.region"() ({
      %run_scoped3A = tpu.sem_alloc : memref<!tpu.dma_semaphore, #tpu.memory_space<semaphore_mem>>
      %dma_start3A_535 = arith.constant 0 : i32
      %dma_start3A_536 = tpu.memref_slice %arg18[%add3A_215, %dma_start3A_535] : memref<10240x128xf32, #tpu.memory_space<vmem_shared>> -> memref<80x128xf32, #tpu.memory_space<vmem_shared>>
      %dma_start3A_537 = arith.constant 0 : i32
      %dma_start3A_538 = tpu.memref_slice %arg18[%add3A_215, %dma_start3A_537] : memref<10240x128xf32, #tpu.memory_space<vmem_shared>> -> memref<80x128xf32, #tpu.memory_space<vmem_shared>>
      tpu.enqueue_dma source(%arg11 : memref<80x128xf32, #tpu.memory_space<vmem>>) target(%dma_start3A_538 : memref<80x128xf32, #tpu.memory_space<vmem_shared>>) target_semaphore(%run_scoped3A : memref<!tpu.dma_semaphore, #tpu.memory_space<semaphore_mem>>)
      %dma_wait3A_539 = arith.constant 0 : i32
      %dma_wait3A_540 = tpu.memref_slice %arg18[%add3A_215, %dma_wait3A_539] : memref<10240x128xf32, #tpu.memory_space<vmem_shared>> -> memref<80x128xf32, #tpu.memory_space<vmem_shared>>
      %dma_wait3A_541 = arith.constant 0 : i32
      %dma_wait3A_542 = tpu.memref_slice %arg18[%add3A_215, %dma_wait3A_541] : memref<10240x128xf32, #tpu.memory_space<vmem_shared>> -> memref<80x128xf32, #tpu.memory_space<vmem_shared>>
      tpu.wait_dma2 semaphore(%run_scoped3A : memref<!tpu.dma_semaphore, #tpu.memory_space<semaphore_mem>>) src(%arg11 : memref<80x128xf32, #tpu.memory_space<vmem>>) dst(%dma_wait3A_542 : memref<80x128xf32, #tpu.memory_space<vmem_shared>>)
      tpu.yield
    }) : () -> ()
    %add3A_216 = arith.constant 160 : i32
    %add3A_217 = arith.addi %mul3A_2, %add3A_216 : i32
    "tpu.region"() ({
      %run_scoped3A = tpu.sem_alloc : memref<!tpu.dma_semaphore, #tpu.memory_space<semaphore_mem>>
      %dma_start3A_535 = arith.constant 0 : i32
      %dma_start3A_536 = tpu.memref_slice %arg18[%add3A_217, %dma_start3A_535] : memref<10240x128xf32, #tpu.memory_space<vmem_shared>> -> memref<80x128xf32, #tpu.memory_space<vmem_shared>>
      %dma_start3A_537 = arith.constant 0 : i32
      %dma_start3A_538 = tpu.memref_slice %arg18[%add3A_217, %dma_start3A_537] : memref<10240x128xf32, #tpu.memory_space<vmem_shared>> -> memref<80x128xf32, #tpu.memory_space<vmem_shared>>
      tpu.enqueue_dma source(%arg11 : memref<80x128xf32, #tpu.memory_space<vmem>>) target(%dma_start3A_538 : memref<80x128xf32, #tpu.memory_space<vmem_shared>>) target_semaphore(%run_scoped3A : memref<!tpu.dma_semaphore, #tpu.memory_space<semaphore_mem>>)
      %dma_wait3A_539 = arith.constant 0 : i32
      %dma_wait3A_540 = tpu.memref_slice %arg18[%add3A_217, %dma_wait3A_539] : memref<10240x128xf32, #tpu.memory_space<vmem_shared>> -> memref<80x128xf32, #tpu.memory_space<vmem_shared>>
      %dma_wait3A_541 = arith.constant 0 : i32
      %dma_wait3A_542 = tpu.memref_slice %arg18[%add3A_217, %dma_wait3A_541] : memref<10240x128xf32, #tpu.memory_space<vmem_shared>> -> memref<80x128xf32, #tpu.memory_space<vmem_shared>>
      tpu.wait_dma2 semaphore(%run_scoped3A : memref<!tpu.dma_semaphore, #tpu.memory_space<semaphore_mem>>) src(%arg11 : memref<80x128xf32, #tpu.memory_space<vmem>>) dst(%dma_wait3A_542 : memref<80x128xf32, #tpu.memory_space<vmem_shared>>)
      tpu.yield
    }) : () -> ()
    %add3A_218 = arith.constant 240 : i32
    %add3A_219 = arith.addi %mul3A_2, %add3A_218 : i32
    "tpu.region"() ({
      %run_scoped3A = tpu.sem_alloc : memref<!tpu.dma_semaphore, #tpu.memory_space<semaphore_mem>>
      %dma_start3A_535 = arith.constant 0 : i32
      %dma_start3A_536 = tpu.memref_slice %arg18[%add3A_219, %dma_start3A_535] : memref<10240x128xf32, #tpu.memory_space<vmem_shared>> -> memref<80x128xf32, #tpu.memory_space<vmem_shared>>
      %dma_start3A_537 = arith.constant 0 : i32
      %dma_start3A_538 = tpu.memref_slice %arg18[%add3A_219, %dma_start3A_537] : memref<10240x128xf32, #tpu.memory_space<vmem_shared>> -> memref<80x128xf32, #tpu.memory_space<vmem_shared>>
      tpu.enqueue_dma source(%arg11 : memref<80x128xf32, #tpu.memory_space<vmem>>) target(%dma_start3A_538 : memref<80x128xf32, #tpu.memory_space<vmem_shared>>) target_semaphore(%run_scoped3A : memref<!tpu.dma_semaphore, #tpu.memory_space<semaphore_mem>>)
      %dma_wait3A_539 = arith.constant 0 : i32
      %dma_wait3A_540 = tpu.memref_slice %arg18[%add3A_219, %dma_wait3A_539] : memref<10240x128xf32, #tpu.memory_space<vmem_shared>> -> memref<80x128xf32, #tpu.memory_space<vmem_shared>>
      %dma_wait3A_541 = arith.constant 0 : i32
      %dma_wait3A_542 = tpu.memref_slice %arg18[%add3A_219, %dma_wait3A_541] : memref<10240x128xf32, #tpu.memory_space<vmem_shared>> -> memref<80x128xf32, #tpu.memory_space<vmem_shared>>
      tpu.wait_dma2 semaphore(%run_scoped3A : memref<!tpu.dma_semaphore, #tpu.memory_space<semaphore_mem>>) src(%arg11 : memref<80x128xf32, #tpu.memory_space<vmem>>) dst(%dma_wait3A_542 : memref<80x128xf32, #tpu.memory_space<vmem_shared>>)
      tpu.yield
    }) : () -> ()
    %add3A_220 = arith.constant 320 : i32
    %add3A_221 = arith.addi %mul3A_2, %add3A_220 : i32
    "tpu.region"() ({
      %run_scoped3A = tpu.sem_alloc : memref<!tpu.dma_semaphore, #tpu.memory_space<semaphore_mem>>
      %dma_start3A_535 = arith.constant 0 : i32
      %dma_start3A_536 = tpu.memref_slice %arg18[%add3A_221, %dma_start3A_535] : memref<10240x128xf32, #tpu.memory_space<vmem_shared>> -> memref<80x128xf32, #tpu.memory_space<vmem_shared>>
      %dma_start3A_537 = arith.constant 0 : i32
      %dma_start3A_538 = tpu.memref_slice %arg18[%add3A_221, %dma_start3A_537] : memref<10240x128xf32, #tpu.memory_space<vmem_shared>> -> memref<80x128xf32, #tpu.memory_space<vmem_shared>>
      tpu.enqueue_dma source(%arg11 : memref<80x128xf32, #tpu.memory_space<vmem>>) target(%dma_start3A_538 : memref<80x128xf32, #tpu.memory_space<vmem_shared>>) target_semaphore(%run_scoped3A : memref<!tpu.dma_semaphore, #tpu.memory_space<semaphore_mem>>)
      %dma_wait3A_539 = arith.constant 0 : i32
      %dma_wait3A_540 = tpu.memref_slice %arg18[%add3A_221, %dma_wait3A_539] : memref<10240x128xf32, #tpu.memory_space<vmem_shared>> -> memref<80x128xf32, #tpu.memory_space<vmem_shared>>
      %dma_wait3A_541 = arith.constant 0 : i32
      %dma_wait3A_542 = tpu.memref_slice %arg18[%add3A_221, %dma_wait3A_541] : memref<10240x128xf32, #tpu.memory_space<vmem_shared>> -> memref<80x128xf32, #tpu.memory_space<vmem_shared>>
      tpu.wait_dma2 semaphore(%run_scoped3A : memref<!tpu.dma_semaphore, #tpu.memory_space<semaphore_mem>>) src(%arg11 : memref<80x128xf32, #tpu.memory_space<vmem>>) dst(%dma_wait3A_542 : memref<80x128xf32, #tpu.memory_space<vmem_shared>>)
      tpu.yield
    }) : () -> ()
    %add3A_222 = arith.constant 400 : i32
    %add3A_223 = arith.addi %mul3A_2, %add3A_222 : i32
    "tpu.region"() ({
      %run_scoped3A = tpu.sem_alloc : memref<!tpu.dma_semaphore, #tpu.memory_space<semaphore_mem>>
      %dma_start3A_535 = arith.constant 0 : i32
      %dma_start3A_536 = tpu.memref_slice %arg18[%add3A_223, %dma_start3A_535] : memref<10240x128xf32, #tpu.memory_space<vmem_shared>> -> memref<80x128xf32, #tpu.memory_space<vmem_shared>>
      %dma_start3A_537 = arith.constant 0 : i32
      %dma_start3A_538 = tpu.memref_slice %arg18[%add3A_223, %dma_start3A_537] : memref<10240x128xf32, #tpu.memory_space<vmem_shared>> -> memref<80x128xf32, #tpu.memory_space<vmem_shared>>
      tpu.enqueue_dma source(%arg11 : memref<80x128xf32, #tpu.memory_space<vmem>>) target(%dma_start3A_538 : memref<80x128xf32, #tpu.memory_space<vmem_shared>>) target_semaphore(%run_scoped3A : memref<!tpu.dma_semaphore, #tpu.memory_space<semaphore_mem>>)
      %dma_wait3A_539 = arith.constant 0 : i32
      %dma_wait3A_540 = tpu.memref_slice %arg18[%add3A_223, %dma_wait3A_539] : memref<10240x128xf32, #tpu.memory_space<vmem_shared>> -> memref<80x128xf32, #tpu.memory_space<vmem_shared>>
      %dma_wait3A_541 = arith.constant 0 : i32
      %dma_wait3A_542 = tpu.memref_slice %arg18[%add3A_223, %dma_wait3A_541] : memref<10240x128xf32, #tpu.memory_space<vmem_shared>> -> memref<80x128xf32, #tpu.memory_space<vmem_shared>>
      tpu.wait_dma2 semaphore(%run_scoped3A : memref<!tpu.dma_semaphore, #tpu.memory_space<semaphore_mem>>) src(%arg11 : memref<80x128xf32, #tpu.memory_space<vmem>>) dst(%dma_wait3A_542 : memref<80x128xf32, #tpu.memory_space<vmem_shared>>)
      tpu.yield
    }) : () -> ()
    %add3A_224 = arith.constant 480 : i32
    %add3A_225 = arith.addi %mul3A_2, %add3A_224 : i32
    "tpu.region"() ({
      %run_scoped3A = tpu.sem_alloc : memref<!tpu.dma_semaphore, #tpu.memory_space<semaphore_mem>>
      %dma_start3A_535 = arith.constant 0 : i32
      %dma_start3A_536 = tpu.memref_slice %arg18[%add3A_225, %dma_start3A_535] : memref<10240x128xf32, #tpu.memory_space<vmem_shared>> -> memref<80x128xf32, #tpu.memory_space<vmem_shared>>
      %dma_start3A_537 = arith.constant 0 : i32
      %dma_start3A_538 = tpu.memref_slice %arg18[%add3A_225, %dma_start3A_537] : memref<10240x128xf32, #tpu.memory_space<vmem_shared>> -> memref<80x128xf32, #tpu.memory_space<vmem_shared>>
      tpu.enqueue_dma source(%arg11 : memref<80x128xf32, #tpu.memory_space<vmem>>) target(%dma_start3A_538 : memref<80x128xf32, #tpu.memory_space<vmem_shared>>) target_semaphore(%run_scoped3A : memref<!tpu.dma_semaphore, #tpu.memory_space<semaphore_mem>>)
      %dma_wait3A_539 = arith.constant 0 : i32
      %dma_wait3A_540 = tpu.memref_slice %arg18[%add3A_225, %dma_wait3A_539] : memref<10240x128xf32, #tpu.memory_space<vmem_shared>> -> memref<80x128xf32, #tpu.memory_space<vmem_shared>>
      %dma_wait3A_541 = arith.constant 0 : i32
      %dma_wait3A_542 = tpu.memref_slice %arg18[%add3A_225, %dma_wait3A_541] : memref<10240x128xf32, #tpu.memory_space<vmem_shared>> -> memref<80x128xf32, #tpu.memory_space<vmem_shared>>
      tpu.wait_dma2 semaphore(%run_scoped3A : memref<!tpu.dma_semaphore, #tpu.memory_space<semaphore_mem>>) src(%arg11 : memref<80x128xf32, #tpu.memory_space<vmem>>) dst(%dma_wait3A_542 : memref<80x128xf32, #tpu.memory_space<vmem_shared>>)
      tpu.yield
    }) : () -> ()
    %add3A_226 = arith.constant 560 : i32
    %add3A_227 = arith.addi %mul3A_2, %add3A_226 : i32
    "tpu.region"() ({
      %run_scoped3A = tpu.sem_alloc : memref<!tpu.dma_semaphore, #tpu.memory_space<semaphore_mem>>
      %dma_start3A_535 = arith.constant 0 : i32
      %dma_start3A_536 = tpu.memref_slice %arg18[%add3A_227, %dma_start3A_535] : memref<10240x128xf32, #tpu.memory_space<vmem_shared>> -> memref<80x128xf32, #tpu.memory_space<vmem_shared>>
      %dma_start3A_537 = arith.constant 0 : i32
      %dma_start3A_538 = tpu.memref_slice %arg18[%add3A_227, %dma_start3A_537] : memref<10240x128xf32, #tpu.memory_space<vmem_shared>> -> memref<80x128xf32, #tpu.memory_space<vmem_shared>>
      tpu.enqueue_dma source(%arg11 : memref<80x128xf32, #tpu.memory_space<vmem>>) target(%dma_start3A_538 : memref<80x128xf32, #tpu.memory_space<vmem_shared>>) target_semaphore(%run_scoped3A : memref<!tpu.dma_semaphore, #tpu.memory_space<semaphore_mem>>)
      %dma_wait3A_539 = arith.constant 0 : i32
      %dma_wait3A_540 = tpu.memref_slice %arg18[%add3A_227, %dma_wait3A_539] : memref<10240x128xf32, #tpu.memory_space<vmem_shared>> -> memref<80x128xf32, #tpu.memory_space<vmem_shared>>
      %dma_wait3A_541 = arith.constant 0 : i32
      %dma_wait3A_542 = tpu.memref_slice %arg18[%add3A_227, %dma_wait3A_541] : memref<10240x128xf32, #tpu.memory_space<vmem_shared>> -> memref<80x128xf32, #tpu.memory_space<vmem_shared>>
      tpu.wait_dma2 semaphore(%run_scoped3A : memref<!tpu.dma_semaphore, #tpu.memory_space<semaphore_mem>>) src(%arg11 : memref<80x128xf32, #tpu.memory_space<vmem>>) dst(%dma_wait3A_542 : memref<80x128xf32, #tpu.memory_space<vmem_shared>>)
      tpu.yield
    }) : () -> ()
    %barrier3A_228 = arith.constant 0 : index
    tpu.barrier barrier_id(%barrier3A_228)
    %add3A_229 = arith.constant 0 : i32
    %add3A_230 = arith.addi %mul3A_174, %add3A_229 : i32
    %dma_wait3A_231 = arith.constant 0 : i32
    %dma_wait3A_232 = arith.constant 0 : i32
    %dma_wait3A_233 = tpu.memref_slice %arg9[%dma_wait3A_231, %dma_wait3A_232] : memref<80x128xf32, #tpu.memory_space<vmem>> -> memref<40x128xf32, #tpu.memory_space<vmem>>
    %dma_wait3A_234 = arith.constant 0 : i32
    %dma_wait3A_235 = tpu.memref_slice %arg4[%add3A_230, %dma_wait3A_234] : memref<32000x128xf32, #tpu.memory_space<hbm>> -> memref<40x128xf32, #tpu.memory_space<hbm>>
    %dma_wait3A_236 = arith.constant 0 : i32
    %dma_wait3A_237 = arith.constant 0 : i32
    %dma_wait3A_238 = tpu.memref_slice %arg9[%dma_wait3A_236, %dma_wait3A_237] : memref<80x128xf32, #tpu.memory_space<vmem>> -> memref<40x128xf32, #tpu.memory_space<vmem>>
    %dma_wait3A_239 = arith.constant 0 : i32
    %dma_wait3A_240 = tpu.memref_slice %arg4[%add3A_230, %dma_wait3A_239] : memref<32000x128xf32, #tpu.memory_space<hbm>> -> memref<40x128xf32, #tpu.memory_space<hbm>>
    tpu.wait_dma2 semaphore(%arg19 : memref<!tpu.dma_semaphore, #tpu.memory_space<semaphore_mem>>) src(%dma_wait3A_240 : memref<40x128xf32, #tpu.memory_space<hbm>>) dst(%dma_wait3A_238 : memref<40x128xf32, #tpu.memory_space<vmem>>)
    %add3A_241 = arith.constant 32000 : i32
    %add3A_242 = arith.addi %add3A_241, %mul3A_174 : i32
    %add3A_243 = arith.constant 0 : i32
    %add3A_244 = arith.addi %add3A_242, %add3A_243 : i32
    %dma_wait3A_245 = tpu.memref_slice %arg5[%add3A_244] : memref<64000xi32, #tpu.memory_space<hbm>> -> memref<40xi32, #tpu.memory_space<hbm>>
    %dma_wait3A_246 = tpu.memref_slice %arg5[%add3A_244] : memref<64000xi32, #tpu.memory_space<hbm>> -> memref<40xi32, #tpu.memory_space<hbm>>
    tpu.wait_dma2 semaphore(%arg19 : memref<!tpu.dma_semaphore, #tpu.memory_space<semaphore_mem>>) src(%dma_wait3A_246 : memref<40xi32, #tpu.memory_space<hbm>>) dst(%arg15 : memref<40xi32, #tpu.memory_space<vmem>>)
    %dma_start3A_247 = arith.constant 0 : i32
    %dma_start3A_248 = arith.constant 0 : i32
    %dma_start3A_249 = tpu.memref_slice %arg9[%dma_start3A_247, %dma_start3A_248] : memref<80x128xf32, #tpu.memory_space<vmem>> -> memref<40x128xf32, #tpu.memory_space<vmem>>
    %dma_start3A_250 = arith.constant 0 : i32
    %dma_start3A_251 = arith.constant 0 : i32
    %dma_start3A_252 = tpu.memref_slice %arg18[%dma_start3A_250, %dma_start3A_251] : memref<10240x128xf32, #tpu.memory_space<vmem_shared>> -> memref<10240x128xf32, #tpu.memory_space<vmem_shared>>
    tpu.enqueue_indirect_dma source(%dma_start3A_249 : memref<40x128xf32, #tpu.memory_space<vmem>>) target(%dma_start3A_252 : memref<10240x128xf32, #tpu.memory_space<vmem_shared>>) offsets(%arg15 : memref<40xi32, #tpu.memory_space<vmem>>) semaphore(%arg22 : memref<!tpu.dma_semaphore, #tpu.memory_space<semaphore_mem>>) {add = true}
    %add3A_253 = arith.constant 80 : i32
    %add3A_254 = arith.addi %mul3A_174, %add3A_253 : i32
    %dma_start3A_255 = arith.constant 0 : i32
    %dma_start3A_256 = arith.constant 0 : i32
    %dma_start3A_257 = tpu.memref_slice %arg11[%dma_start3A_255, %dma_start3A_256] : memref<80x128xf32, #tpu.memory_space<vmem>> -> memref<40x128xf32, #tpu.memory_space<vmem>>
    %dma_start3A_258 = arith.constant 0 : i32
    %dma_start3A_259 = tpu.memref_slice %arg4[%add3A_254, %dma_start3A_258] : memref<32000x128xf32, #tpu.memory_space<hbm>> -> memref<40x128xf32, #tpu.memory_space<hbm>>
    %dma_start3A_260 = arith.constant 0 : i32
    %dma_start3A_261 = arith.constant 0 : i32
    %dma_start3A_262 = tpu.memref_slice %arg11[%dma_start3A_260, %dma_start3A_261] : memref<80x128xf32, #tpu.memory_space<vmem>> -> memref<40x128xf32, #tpu.memory_space<vmem>>
    %dma_start3A_263 = arith.constant 0 : i32
    %dma_start3A_264 = tpu.memref_slice %arg4[%add3A_254, %dma_start3A_263] : memref<32000x128xf32, #tpu.memory_space<hbm>> -> memref<40x128xf32, #tpu.memory_space<hbm>>
    tpu.enqueue_dma source(%dma_start3A_264 : memref<40x128xf32, #tpu.memory_space<hbm>>) target(%dma_start3A_262 : memref<40x128xf32, #tpu.memory_space<vmem>>) target_semaphore(%arg21 : memref<!tpu.dma_semaphore, #tpu.memory_space<semaphore_mem>>)
    %add3A_265 = arith.constant 32000 : i32
    %add3A_266 = arith.addi %add3A_265, %mul3A_174 : i32
    %add3A_267 = arith.constant 80 : i32
    %add3A_268 = arith.addi %add3A_266, %add3A_267 : i32
    %dma_start3A_269 = tpu.memref_slice %arg5[%add3A_268] : memref<64000xi32, #tpu.memory_space<hbm>> -> memref<40xi32, #tpu.memory_space<hbm>>
    %dma_start3A_270 = tpu.memref_slice %arg5[%add3A_268] : memref<64000xi32, #tpu.memory_space<hbm>> -> memref<40xi32, #tpu.memory_space<hbm>>
    tpu.enqueue_dma source(%dma_start3A_270 : memref<40xi32, #tpu.memory_space<hbm>>) target(%arg17 : memref<40xi32, #tpu.memory_space<vmem>>) target_semaphore(%arg21 : memref<!tpu.dma_semaphore, #tpu.memory_space<semaphore_mem>>)
    %scan3A_271 = arith.constant 0 : i32
    %scan3A_272 = arith.constant 6 : i32
    %scan3A_273 = arith.addi %scan3A_271, %scan3A_272 : i32
    %scan3A_274 = arith.constant 1 : i32
    scf.for %scan3A_535 = %scan3A_271 to %scan3A_273 step %scan3A_274  : i32 {
      %mul3A_536 = arith.constant 3 : i32
      %mul3A_537 = arith.muli %scan3A_535, %mul3A_536 : i32
      %add3A_538 = arith.constant 1 : i32
      %add3A_539 = arith.addi %add3A_538, %mul3A_537 : i32
      %mul3A_540 = arith.constant 40 : i32
      %mul3A_541 = arith.muli %add3A_539, %mul3A_540 : i32
      %add3A_542 = arith.addi %mul3A_174, %mul3A_541 : i32
      %dma_wait3A_543 = arith.constant 0 : i32
      %dma_wait3A_544 = arith.constant 0 : i32
      %dma_wait3A_545 = tpu.memref_slice %arg10[%dma_wait3A_543, %dma_wait3A_544] : memref<80x128xf32, #tpu.memory_space<vmem>> -> memref<40x128xf32, #tpu.memory_space<vmem>>
      %dma_wait3A_546 = arith.constant 0 : i32
      %dma_wait3A_547 = tpu.memref_slice %arg4[%add3A_542, %dma_wait3A_546] : memref<32000x128xf32, #tpu.memory_space<hbm>> -> memref<40x128xf32, #tpu.memory_space<hbm>>
      %dma_wait3A_548 = arith.constant 0 : i32
      %dma_wait3A_549 = arith.constant 0 : i32
      %dma_wait3A_550 = tpu.memref_slice %arg10[%dma_wait3A_548, %dma_wait3A_549] : memref<80x128xf32, #tpu.memory_space<vmem>> -> memref<40x128xf32, #tpu.memory_space<vmem>>
      %dma_wait3A_551 = arith.constant 0 : i32
      %dma_wait3A_552 = tpu.memref_slice %arg4[%add3A_542, %dma_wait3A_551] : memref<32000x128xf32, #tpu.memory_space<hbm>> -> memref<40x128xf32, #tpu.memory_space<hbm>>
      tpu.wait_dma2 semaphore(%arg20 : memref<!tpu.dma_semaphore, #tpu.memory_space<semaphore_mem>>) src(%dma_wait3A_552 : memref<40x128xf32, #tpu.memory_space<hbm>>) dst(%dma_wait3A_550 : memref<40x128xf32, #tpu.memory_space<vmem>>)
      %add3A_553 = arith.constant 32000 : i32
      %add3A_554 = arith.addi %add3A_553, %mul3A_174 : i32
      %mul3A_555 = arith.constant 40 : i32
      %mul3A_556 = arith.muli %add3A_539, %mul3A_555 : i32
      %add3A_557 = arith.addi %add3A_554, %mul3A_556 : i32
      %dma_wait3A_558 = tpu.memref_slice %arg5[%add3A_557] : memref<64000xi32, #tpu.memory_space<hbm>> -> memref<40xi32, #tpu.memory_space<hbm>>
      %dma_wait3A_559 = tpu.memref_slice %arg5[%add3A_557] : memref<64000xi32, #tpu.memory_space<hbm>> -> memref<40xi32, #tpu.memory_space<hbm>>
      tpu.wait_dma2 semaphore(%arg20 : memref<!tpu.dma_semaphore, #tpu.memory_space<semaphore_mem>>) src(%dma_wait3A_559 : memref<40xi32, #tpu.memory_space<hbm>>) dst(%arg16 : memref<40xi32, #tpu.memory_space<vmem>>)
      %dma_start3A_560 = arith.constant 0 : i32
      %dma_start3A_561 = arith.constant 0 : i32
      %dma_start3A_562 = tpu.memref_slice %arg10[%dma_start3A_560, %dma_start3A_561] : memref<80x128xf32, #tpu.memory_space<vmem>> -> memref<40x128xf32, #tpu.memory_space<vmem>>
      %dma_start3A_563 = arith.constant 0 : i32
      %dma_start3A_564 = arith.constant 0 : i32
      %dma_start3A_565 = tpu.memref_slice %arg18[%dma_start3A_563, %dma_start3A_564] : memref<10240x128xf32, #tpu.memory_space<vmem_shared>> -> memref<10240x128xf32, #tpu.memory_space<vmem_shared>>
      tpu.enqueue_indirect_dma source(%dma_start3A_562 : memref<40x128xf32, #tpu.memory_space<vmem>>) target(%dma_start3A_565 : memref<10240x128xf32, #tpu.memory_space<vmem_shared>>) offsets(%arg16 : memref<40xi32, #tpu.memory_space<vmem>>) semaphore(%arg23 : memref<!tpu.dma_semaphore, #tpu.memory_space<semaphore_mem>>) {add = true}
      %dma_wait3A_566 = arith.constant 0 : i32
      %dma_wait3A_567 = arith.constant 0 : i32
      %dma_wait3A_568 = tpu.memref_slice %arg9[%dma_wait3A_566, %dma_wait3A_567] : memref<80x128xf32, #tpu.memory_space<vmem>> -> memref<40x128xf32, #tpu.memory_space<vmem>>
      %dma_wait3A_569 = arith.constant 0 : i32
      %dma_wait3A_570 = arith.constant 0 : i32
      %dma_wait3A_571 = tpu.memref_slice %arg18[%dma_wait3A_569, %dma_wait3A_570] : memref<10240x128xf32, #tpu.memory_space<vmem_shared>> -> memref<10240x128xf32, #tpu.memory_space<vmem_shared>>
      tpu.wait_indirect_dma semaphore(%arg22 : memref<!tpu.dma_semaphore, #tpu.memory_space<semaphore_mem>>) src(%dma_wait3A_568 : memref<40x128xf32, #tpu.memory_space<vmem>>) dst(%dma_wait3A_571 : memref<10240x128xf32, #tpu.memory_space<vmem_shared>>)
      %add3A_572 = arith.constant 2 : i32
      %add3A_573 = arith.addi %add3A_539, %add3A_572 : i32
      %mul3A_574 = arith.constant 40 : i32
      %mul3A_575 = arith.muli %add3A_573, %mul3A_574 : i32
      %add3A_576 = arith.addi %mul3A_174, %mul3A_575 : i32
      %dma_start3A_577 = arith.constant 0 : i32
      %dma_start3A_578 = arith.constant 0 : i32
      %dma_start3A_579 = tpu.memref_slice %arg9[%dma_start3A_577, %dma_start3A_578] : memref<80x128xf32, #tpu.memory_space<vmem>> -> memref<40x128xf32, #tpu.memory_space<vmem>>
      %dma_start3A_580 = arith.constant 0 : i32
      %dma_start3A_581 = tpu.memref_slice %arg4[%add3A_576, %dma_start3A_580] : memref<32000x128xf32, #tpu.memory_space<hbm>> -> memref<40x128xf32, #tpu.memory_space<hbm>>
      %dma_start3A_582 = arith.constant 0 : i32
      %dma_start3A_583 = arith.constant 0 : i32
      %dma_start3A_584 = tpu.memref_slice %arg9[%dma_start3A_582, %dma_start3A_583] : memref<80x128xf32, #tpu.memory_space<vmem>> -> memref<40x128xf32, #tpu.memory_space<vmem>>
      %dma_start3A_585 = arith.constant 0 : i32
      %dma_start3A_586 = tpu.memref_slice %arg4[%add3A_576, %dma_start3A_585] : memref<32000x128xf32, #tpu.memory_space<hbm>> -> memref<40x128xf32, #tpu.memory_space<hbm>>
      tpu.enqueue_dma source(%dma_start3A_586 : memref<40x128xf32, #tpu.memory_space<hbm>>) target(%dma_start3A_584 : memref<40x128xf32, #tpu.memory_space<vmem>>) target_semaphore(%arg19 : memref<!tpu.dma_semaphore, #tpu.memory_space<semaphore_mem>>)
      %add3A_587 = arith.constant 32000 : i32
      %add3A_588 = arith.addi %add3A_587, %mul3A_174 : i32
      %mul3A_589 = arith.constant 40 : i32
      %mul3A_590 = arith.muli %add3A_573, %mul3A_589 : i32
      %add3A_591 = arith.addi %add3A_588, %mul3A_590 : i32
      %dma_start3A_592 = tpu.memref_slice %arg5[%add3A_591] : memref<64000xi32, #tpu.memory_space<hbm>> -> memref<40xi32, #tpu.memory_space<hbm>>
      %dma_start3A_593 = tpu.memref_slice %arg5[%add3A_591] : memref<64000xi32, #tpu.memory_space<hbm>> -> memref<40xi32, #tpu.memory_space<hbm>>
      tpu.enqueue_dma source(%dma_start3A_593 : memref<40xi32, #tpu.memory_space<hbm>>) target(%arg15 : memref<40xi32, #tpu.memory_space<vmem>>) target_semaphore(%arg19 : memref<!tpu.dma_semaphore, #tpu.memory_space<semaphore_mem>>)
      %add3A_594 = arith.constant 1 : i32
      %add3A_595 = arith.addi %add3A_539, %add3A_594 : i32
      %mul3A_596 = arith.constant 40 : i32
      %mul3A_597 = arith.muli %add3A_595, %mul3A_596 : i32
      %add3A_598 = arith.addi %mul3A_174, %mul3A_597 : i32
      %dma_wait3A_599 = arith.constant 0 : i32
      %dma_wait3A_600 = arith.constant 0 : i32
      %dma_wait3A_601 = tpu.memref_slice %arg11[%dma_wait3A_599, %dma_wait3A_600] : memref<80x128xf32, #tpu.memory_space<vmem>> -> memref<40x128xf32, #tpu.memory_space<vmem>>
      %dma_wait3A_602 = arith.constant 0 : i32
      %dma_wait3A_603 = tpu.memref_slice %arg4[%add3A_598, %dma_wait3A_602] : memref<32000x128xf32, #tpu.memory_space<hbm>> -> memref<40x128xf32, #tpu.memory_space<hbm>>
      %dma_wait3A_604 = arith.constant 0 : i32
      %dma_wait3A_605 = arith.constant 0 : i32
      %dma_wait3A_606 = tpu.memref_slice %arg11[%dma_wait3A_604, %dma_wait3A_605] : memref<80x128xf32, #tpu.memory_space<vmem>> -> memref<40x128xf32, #tpu.memory_space<vmem>>
      %dma_wait3A_607 = arith.constant 0 : i32
      %dma_wait3A_608 = tpu.memref_slice %arg4[%add3A_598, %dma_wait3A_607] : memref<32000x128xf32, #tpu.memory_space<hbm>> -> memref<40x128xf32, #tpu.memory_space<hbm>>
      tpu.wait_dma2 semaphore(%arg21 : memref<!tpu.dma_semaphore, #tpu.memory_space<semaphore_mem>>) src(%dma_wait3A_608 : memref<40x128xf32, #tpu.memory_space<hbm>>) dst(%dma_wait3A_606 : memref<40x128xf32, #tpu.memory_space<vmem>>)
      %add3A_609 = arith.constant 32000 : i32
      %add3A_610 = arith.addi %add3A_609, %mul3A_174 : i32
      %mul3A_611 = arith.constant 40 : i32
      %mul3A_612 = arith.muli %add3A_595, %mul3A_611 : i32
      %add3A_613 = arith.addi %add3A_610, %mul3A_612 : i32
      %dma_wait3A_614 = tpu.memref_slice %arg5[%add3A_613] : memref<64000xi32, #tpu.memory_space<hbm>> -> memref<40xi32, #tpu.memory_space<hbm>>
      %dma_wait3A_615 = tpu.memref_slice %arg5[%add3A_613] : memref<64000xi32, #tpu.memory_space<hbm>> -> memref<40xi32, #tpu.memory_space<hbm>>
      tpu.wait_dma2 semaphore(%arg21 : memref<!tpu.dma_semaphore, #tpu.memory_space<semaphore_mem>>) src(%dma_wait3A_615 : memref<40xi32, #tpu.memory_space<hbm>>) dst(%arg17 : memref<40xi32, #tpu.memory_space<vmem>>)
      %dma_start3A_616 = arith.constant 0 : i32
      %dma_start3A_617 = arith.constant 0 : i32
      %dma_start3A_618 = tpu.memref_slice %arg11[%dma_start3A_616, %dma_start3A_617] : memref<80x128xf32, #tpu.memory_space<vmem>> -> memref<40x128xf32, #tpu.memory_space<vmem>>
      %dma_start3A_619 = arith.constant 0 : i32
      %dma_start3A_620 = arith.constant 0 : i32
      %dma_start3A_621 = tpu.memref_slice %arg18[%dma_start3A_619, %dma_start3A_620] : memref<10240x128xf32, #tpu.memory_space<vmem_shared>> -> memref<10240x128xf32, #tpu.memory_space<vmem_shared>>
      tpu.enqueue_indirect_dma source(%dma_start3A_618 : memref<40x128xf32, #tpu.memory_space<vmem>>) target(%dma_start3A_621 : memref<10240x128xf32, #tpu.memory_space<vmem_shared>>) offsets(%arg17 : memref<40xi32, #tpu.memory_space<vmem>>) semaphore(%arg24 : memref<!tpu.dma_semaphore, #tpu.memory_space<semaphore_mem>>) {add = true}
      %dma_wait3A_622 = arith.constant 0 : i32
      %dma_wait3A_623 = arith.constant 0 : i32
      %dma_wait3A_624 = tpu.memref_slice %arg10[%dma_wait3A_622, %dma_wait3A_623] : memref<80x128xf32, #tpu.memory_space<vmem>> -> memref<40x128xf32, #tpu.memory_space<vmem>>
      %dma_wait3A_625 = arith.constant 0 : i32
      %dma_wait3A_626 = arith.constant 0 : i32
      %dma_wait3A_627 = tpu.memref_slice %arg18[%dma_wait3A_625, %dma_wait3A_626] : memref<10240x128xf32, #tpu.memory_space<vmem_shared>> -> memref<10240x128xf32, #tpu.memory_space<vmem_shared>>
      tpu.wait_indirect_dma semaphore(%arg23 : memref<!tpu.dma_semaphore, #tpu.memory_space<semaphore_mem>>) src(%dma_wait3A_624 : memref<40x128xf32, #tpu.memory_space<vmem>>) dst(%dma_wait3A_627 : memref<10240x128xf32, #tpu.memory_space<vmem_shared>>)
      %add3A_628 = arith.constant 2 : i32
      %add3A_629 = arith.addi %add3A_595, %add3A_628 : i32
      %mul3A_630 = arith.constant 40 : i32
      %mul3A_631 = arith.muli %add3A_629, %mul3A_630 : i32
      %add3A_632 = arith.addi %mul3A_174, %mul3A_631 : i32
      %dma_start3A_633 = arith.constant 0 : i32
      %dma_start3A_634 = arith.constant 0 : i32
      %dma_start3A_635 = tpu.memref_slice %arg10[%dma_start3A_633, %dma_start3A_634] : memref<80x128xf32, #tpu.memory_space<vmem>> -> memref<40x128xf32, #tpu.memory_space<vmem>>
      %dma_start3A_636 = arith.constant 0 : i32
      %dma_start3A_637 = tpu.memref_slice %arg4[%add3A_632, %dma_start3A_636] : memref<32000x128xf32, #tpu.memory_space<hbm>> -> memref<40x128xf32, #tpu.memory_space<hbm>>
      %dma_start3A_638 = arith.constant 0 : i32
      %dma_start3A_639 = arith.constant 0 : i32
      %dma_start3A_640 = tpu.memref_slice %arg10[%dma_start3A_638, %dma_start3A_639] : memref<80x128xf32, #tpu.memory_space<vmem>> -> memref<40x128xf32, #tpu.memory_space<vmem>>
      %dma_start3A_641 = arith.constant 0 : i32
      %dma_start3A_642 = tpu.memref_slice %arg4[%add3A_632, %dma_start3A_641] : memref<32000x128xf32, #tpu.memory_space<hbm>> -> memref<40x128xf32, #tpu.memory_space<hbm>>
      tpu.enqueue_dma source(%dma_start3A_642 : memref<40x128xf32, #tpu.memory_space<hbm>>) target(%dma_start3A_640 : memref<40x128xf32, #tpu.memory_space<vmem>>) target_semaphore(%arg20 : memref<!tpu.dma_semaphore, #tpu.memory_space<semaphore_mem>>)
      %add3A_643 = arith.constant 32000 : i32
      %add3A_644 = arith.addi %add3A_643, %mul3A_174 : i32
      %mul3A_645 = arith.constant 40 : i32
      %mul3A_646 = arith.muli %add3A_629, %mul3A_645 : i32
      %add3A_647 = arith.addi %add3A_644, %mul3A_646 : i32
      %dma_start3A_648 = tpu.memref_slice %arg5[%add3A_647] : memref<64000xi32, #tpu.memory_space<hbm>> -> memref<40xi32, #tpu.memory_space<hbm>>
      %dma_start3A_649 = tpu.memref_slice %arg5[%add3A_647] : memref<64000xi32, #tpu.memory_space<hbm>> -> memref<40xi32, #tpu.memory_space<hbm>>
      tpu.enqueue_dma source(%dma_start3A_649 : memref<40xi32, #tpu.memory_space<hbm>>) target(%arg16 : memref<40xi32, #tpu.memory_space<vmem>>) target_semaphore(%arg20 : memref<!tpu.dma_semaphore, #tpu.memory_space<semaphore_mem>>)
      %add3A_650 = arith.constant 2 : i32
      %add3A_651 = arith.addi %add3A_539, %add3A_650 : i32
      %mul3A_652 = arith.constant 40 : i32
      %mul3A_653 = arith.muli %add3A_651, %mul3A_652 : i32
      %add3A_654 = arith.addi %mul3A_174, %mul3A_653 : i32
      %dma_wait3A_655 = arith.constant 0 : i32
      %dma_wait3A_656 = arith.constant 0 : i32
      %dma_wait3A_657 = tpu.memref_slice %arg9[%dma_wait3A_655, %dma_wait3A_656] : memref<80x128xf32, #tpu.memory_space<vmem>> -> memref<40x128xf32, #tpu.memory_space<vmem>>
      %dma_wait3A_658 = arith.constant 0 : i32
      %dma_wait3A_659 = tpu.memref_slice %arg4[%add3A_654, %dma_wait3A_658] : memref<32000x128xf32, #tpu.memory_space<hbm>> -> memref<40x128xf32, #tpu.memory_space<hbm>>
      %dma_wait3A_660 = arith.constant 0 : i32
      %dma_wait3A_661 = arith.constant 0 : i32
      %dma_wait3A_662 = tpu.memref_slice %arg9[%dma_wait3A_660, %dma_wait3A_661] : memref<80x128xf32, #tpu.memory_space<vmem>> -> memref<40x128xf32, #tpu.memory_space<vmem>>
      %dma_wait3A_663 = arith.constant 0 : i32
      %dma_wait3A_664 = tpu.memref_slice %arg4[%add3A_654, %dma_wait3A_663] : memref<32000x128xf32, #tpu.memory_space<hbm>> -> memref<40x128xf32, #tpu.memory_space<hbm>>
      tpu.wait_dma2 semaphore(%arg19 : memref<!tpu.dma_semaphore, #tpu.memory_space<semaphore_mem>>) src(%dma_wait3A_664 : memref<40x128xf32, #tpu.memory_space<hbm>>) dst(%dma_wait3A_662 : memref<40x128xf32, #tpu.memory_space<vmem>>)
      %add3A_665 = arith.constant 32000 : i32
      %add3A_666 = arith.addi %add3A_665, %mul3A_174 : i32
      %mul3A_667 = arith.constant 40 : i32
      %mul3A_668 = arith.muli %add3A_651, %mul3A_667 : i32
      %add3A_669 = arith.addi %add3A_666, %mul3A_668 : i32
      %dma_wait3A_670 = tpu.memref_slice %arg5[%add3A_669] : memref<64000xi32, #tpu.memory_space<hbm>> -> memref<40xi32, #tpu.memory_space<hbm>>
      %dma_wait3A_671 = tpu.memref_slice %arg5[%add3A_669] : memref<64000xi32, #tpu.memory_space<hbm>> -> memref<40xi32, #tpu.memory_space<hbm>>
      tpu.wait_dma2 semaphore(%arg19 : memref<!tpu.dma_semaphore, #tpu.memory_space<semaphore_mem>>) src(%dma_wait3A_671 : memref<40xi32, #tpu.memory_space<hbm>>) dst(%arg15 : memref<40xi32, #tpu.memory_space<vmem>>)
      %dma_start3A_672 = arith.constant 0 : i32
      %dma_start3A_673 = arith.constant 0 : i32
      %dma_start3A_674 = tpu.memref_slice %arg9[%dma_start3A_672, %dma_start3A_673] : memref<80x128xf32, #tpu.memory_space<vmem>> -> memref<40x128xf32, #tpu.memory_space<vmem>>
      %dma_start3A_675 = arith.constant 0 : i32
      %dma_start3A_676 = arith.constant 0 : i32
      %dma_start3A_677 = tpu.memref_slice %arg18[%dma_start3A_675, %dma_start3A_676] : memref<10240x128xf32, #tpu.memory_space<vmem_shared>> -> memref<10240x128xf32, #tpu.memory_space<vmem_shared>>
      tpu.enqueue_indirect_dma source(%dma_start3A_674 : memref<40x128xf32, #tpu.memory_space<vmem>>) target(%dma_start3A_677 : memref<10240x128xf32, #tpu.memory_space<vmem_shared>>) offsets(%arg15 : memref<40xi32, #tpu.memory_space<vmem>>) semaphore(%arg22 : memref<!tpu.dma_semaphore, #tpu.memory_space<semaphore_mem>>) {add = true}
      %dma_wait3A_678 = arith.constant 0 : i32
      %dma_wait3A_679 = arith.constant 0 : i32
      %dma_wait3A_680 = tpu.memref_slice %arg11[%dma_wait3A_678, %dma_wait3A_679] : memref<80x128xf32, #tpu.memory_space<vmem>> -> memref<40x128xf32, #tpu.memory_space<vmem>>
      %dma_wait3A_681 = arith.constant 0 : i32
      %dma_wait3A_682 = arith.constant 0 : i32
      %dma_wait3A_683 = tpu.memref_slice %arg18[%dma_wait3A_681, %dma_wait3A_682] : memref<10240x128xf32, #tpu.memory_space<vmem_shared>> -> memref<10240x128xf32, #tpu.memory_space<vmem_shared>>
      tpu.wait_indirect_dma semaphore(%arg24 : memref<!tpu.dma_semaphore, #tpu.memory_space<semaphore_mem>>) src(%dma_wait3A_680 : memref<40x128xf32, #tpu.memory_space<vmem>>) dst(%dma_wait3A_683 : memref<10240x128xf32, #tpu.memory_space<vmem_shared>>)
      %add3A_684 = arith.constant 2 : i32
      %add3A_685 = arith.addi %add3A_651, %add3A_684 : i32
      %mul3A_686 = arith.constant 40 : i32
      %mul3A_687 = arith.muli %add3A_685, %mul3A_686 : i32
      %add3A_688 = arith.addi %mul3A_174, %mul3A_687 : i32
      %dma_start3A_689 = arith.constant 0 : i32
      %dma_start3A_690 = arith.constant 0 : i32
      %dma_start3A_691 = tpu.memref_slice %arg11[%dma_start3A_689, %dma_start3A_690] : memref<80x128xf32, #tpu.memory_space<vmem>> -> memref<40x128xf32, #tpu.memory_space<vmem>>
      %dma_start3A_692 = arith.constant 0 : i32
      %dma_start3A_693 = tpu.memref_slice %arg4[%add3A_688, %dma_start3A_692] : memref<32000x128xf32, #tpu.memory_space<hbm>> -> memref<40x128xf32, #tpu.memory_space<hbm>>
      %dma_start3A_694 = arith.constant 0 : i32
      %dma_start3A_695 = arith.constant 0 : i32
      %dma_start3A_696 = tpu.memref_slice %arg11[%dma_start3A_694, %dma_start3A_695] : memref<80x128xf32, #tpu.memory_space<vmem>> -> memref<40x128xf32, #tpu.memory_space<vmem>>
      %dma_start3A_697 = arith.constant 0 : i32
      %dma_start3A_698 = tpu.memref_slice %arg4[%add3A_688, %dma_start3A_697] : memref<32000x128xf32, #tpu.memory_space<hbm>> -> memref<40x128xf32, #tpu.memory_space<hbm>>
      tpu.enqueue_dma source(%dma_start3A_698 : memref<40x128xf32, #tpu.memory_space<hbm>>) target(%dma_start3A_696 : memref<40x128xf32, #tpu.memory_space<vmem>>) target_semaphore(%arg21 : memref<!tpu.dma_semaphore, #tpu.memory_space<semaphore_mem>>)
      %add3A_699 = arith.constant 32000 : i32
      %add3A_700 = arith.addi %add3A_699, %mul3A_174 : i32
      %mul3A_701 = arith.constant 40 : i32
      %mul3A_702 = arith.muli %add3A_685, %mul3A_701 : i32
      %add3A_703 = arith.addi %add3A_700, %mul3A_702 : i32
      %dma_start3A_704 = tpu.memref_slice %arg5[%add3A_703] : memref<64000xi32, #tpu.memory_space<hbm>> -> memref<40xi32, #tpu.memory_space<hbm>>
      %dma_start3A_705 = tpu.memref_slice %arg5[%add3A_703] : memref<64000xi32, #tpu.memory_space<hbm>> -> memref<40xi32, #tpu.memory_space<hbm>>
      tpu.enqueue_dma source(%dma_start3A_705 : memref<40xi32, #tpu.memory_space<hbm>>) target(%arg17 : memref<40xi32, #tpu.memory_space<vmem>>) target_semaphore(%arg21 : memref<!tpu.dma_semaphore, #tpu.memory_space<semaphore_mem>>)
    }
    %scan3A_275 = arith.constant 6 : i32
    %add3A_276 = arith.constant 760 : i32
    %add3A_277 = arith.addi %mul3A_174, %add3A_276 : i32
    %dma_wait3A_278 = arith.constant 0 : i32
    %dma_wait3A_279 = arith.constant 0 : i32
    %dma_wait3A_280 = tpu.memref_slice %arg10[%dma_wait3A_278, %dma_wait3A_279] : memref<80x128xf32, #tpu.memory_space<vmem>> -> memref<40x128xf32, #tpu.memory_space<vmem>>
    %dma_wait3A_281 = arith.constant 0 : i32
    %dma_wait3A_282 = tpu.memref_slice %arg4[%add3A_277, %dma_wait3A_281] : memref<32000x128xf32, #tpu.memory_space<hbm>> -> memref<40x128xf32, #tpu.memory_space<hbm>>
    %dma_wait3A_283 = arith.constant 0 : i32
    %dma_wait3A_284 = arith.constant 0 : i32
    %dma_wait3A_285 = tpu.memref_slice %arg10[%dma_wait3A_283, %dma_wait3A_284] : memref<80x128xf32, #tpu.memory_space<vmem>> -> memref<40x128xf32, #tpu.memory_space<vmem>>
    %dma_wait3A_286 = arith.constant 0 : i32
    %dma_wait3A_287 = tpu.memref_slice %arg4[%add3A_277, %dma_wait3A_286] : memref<32000x128xf32, #tpu.memory_space<hbm>> -> memref<40x128xf32, #tpu.memory_space<hbm>>
    tpu.wait_dma2 semaphore(%arg20 : memref<!tpu.dma_semaphore, #tpu.memory_space<semaphore_mem>>) src(%dma_wait3A_287 : memref<40x128xf32, #tpu.memory_space<hbm>>) dst(%dma_wait3A_285 : memref<40x128xf32, #tpu.memory_space<vmem>>)
    %add3A_288 = arith.constant 32000 : i32
    %add3A_289 = arith.addi %add3A_288, %mul3A_174 : i32
    %add3A_290 = arith.constant 760 : i32
    %add3A_291 = arith.addi %add3A_289, %add3A_290 : i32
    %dma_wait3A_292 = tpu.memref_slice %arg5[%add3A_291] : memref<64000xi32, #tpu.memory_space<hbm>> -> memref<40xi32, #tpu.memory_space<hbm>>
    %dma_wait3A_293 = tpu.memref_slice %arg5[%add3A_291] : memref<64000xi32, #tpu.memory_space<hbm>> -> memref<40xi32, #tpu.memory_space<hbm>>
    tpu.wait_dma2 semaphore(%arg20 : memref<!tpu.dma_semaphore, #tpu.memory_space<semaphore_mem>>) src(%dma_wait3A_293 : memref<40xi32, #tpu.memory_space<hbm>>) dst(%arg16 : memref<40xi32, #tpu.memory_space<vmem>>)
    %dma_start3A_294 = arith.constant 0 : i32
    %dma_start3A_295 = arith.constant 0 : i32
    %dma_start3A_296 = tpu.memref_slice %arg10[%dma_start3A_294, %dma_start3A_295] : memref<80x128xf32, #tpu.memory_space<vmem>> -> memref<40x128xf32, #tpu.memory_space<vmem>>
    %dma_start3A_297 = arith.constant 0 : i32
    %dma_start3A_298 = arith.constant 0 : i32
    %dma_start3A_299 = tpu.memref_slice %arg18[%dma_start3A_297, %dma_start3A_298] : memref<10240x128xf32, #tpu.memory_space<vmem_shared>> -> memref<10240x128xf32, #tpu.memory_space<vmem_shared>>
    tpu.enqueue_indirect_dma source(%dma_start3A_296 : memref<40x128xf32, #tpu.memory_space<vmem>>) target(%dma_start3A_299 : memref<10240x128xf32, #tpu.memory_space<vmem_shared>>) offsets(%arg16 : memref<40xi32, #tpu.memory_space<vmem>>) semaphore(%arg23 : memref<!tpu.dma_semaphore, #tpu.memory_space<semaphore_mem>>) {add = true}
    %dma_wait3A_300 = arith.constant 0 : i32
    %dma_wait3A_301 = arith.constant 0 : i32
    %dma_wait3A_302 = tpu.memref_slice %arg9[%dma_wait3A_300, %dma_wait3A_301] : memref<80x128xf32, #tpu.memory_space<vmem>> -> memref<40x128xf32, #tpu.memory_space<vmem>>
    %dma_wait3A_303 = arith.constant 0 : i32
    %dma_wait3A_304 = arith.constant 0 : i32
    %dma_wait3A_305 = tpu.memref_slice %arg18[%dma_wait3A_303, %dma_wait3A_304] : memref<10240x128xf32, #tpu.memory_space<vmem_shared>> -> memref<10240x128xf32, #tpu.memory_space<vmem_shared>>
    tpu.wait_indirect_dma semaphore(%arg22 : memref<!tpu.dma_semaphore, #tpu.memory_space<semaphore_mem>>) src(%dma_wait3A_302 : memref<40x128xf32, #tpu.memory_space<vmem>>) dst(%dma_wait3A_305 : memref<10240x128xf32, #tpu.memory_space<vmem_shared>>)
    %add3A_306 = arith.constant 840 : i32
    %add3A_307 = arith.addi %mul3A_174, %add3A_306 : i32
    %dma_start3A_308 = arith.constant 0 : i32
    %dma_start3A_309 = arith.constant 0 : i32
    %dma_start3A_310 = tpu.memref_slice %arg9[%dma_start3A_308, %dma_start3A_309] : memref<80x128xf32, #tpu.memory_space<vmem>> -> memref<40x128xf32, #tpu.memory_space<vmem>>
    %dma_start3A_311 = arith.constant 0 : i32
    %dma_start3A_312 = tpu.memref_slice %arg4[%add3A_307, %dma_start3A_311] : memref<32000x128xf32, #tpu.memory_space<hbm>> -> memref<40x128xf32, #tpu.memory_space<hbm>>
    %dma_start3A_313 = arith.constant 0 : i32
    %dma_start3A_314 = arith.constant 0 : i32
    %dma_start3A_315 = tpu.memref_slice %arg9[%dma_start3A_313, %dma_start3A_314] : memref<80x128xf32, #tpu.memory_space<vmem>> -> memref<40x128xf32, #tpu.memory_space<vmem>>
    %dma_start3A_316 = arith.constant 0 : i32
    %dma_start3A_317 = tpu.memref_slice %arg4[%add3A_307, %dma_start3A_316] : memref<32000x128xf32, #tpu.memory_space<hbm>> -> memref<40x128xf32, #tpu.memory_space<hbm>>
    tpu.enqueue_dma source(%dma_start3A_317 : memref<40x128xf32, #tpu.memory_space<hbm>>) target(%dma_start3A_315 : memref<40x128xf32, #tpu.memory_space<vmem>>) target_semaphore(%arg19 : memref<!tpu.dma_semaphore, #tpu.memory_space<semaphore_mem>>)
    %add3A_318 = arith.constant 32000 : i32
    %add3A_319 = arith.addi %add3A_318, %mul3A_174 : i32
    %add3A_320 = arith.constant 840 : i32
    %add3A_321 = arith.addi %add3A_319, %add3A_320 : i32
    %dma_start3A_322 = tpu.memref_slice %arg5[%add3A_321] : memref<64000xi32, #tpu.memory_space<hbm>> -> memref<40xi32, #tpu.memory_space<hbm>>
    %dma_start3A_323 = tpu.memref_slice %arg5[%add3A_321] : memref<64000xi32, #tpu.memory_space<hbm>> -> memref<40xi32, #tpu.memory_space<hbm>>
    tpu.enqueue_dma source(%dma_start3A_323 : memref<40xi32, #tpu.memory_space<hbm>>) target(%arg15 : memref<40xi32, #tpu.memory_space<vmem>>) target_semaphore(%arg19 : memref<!tpu.dma_semaphore, #tpu.memory_space<semaphore_mem>>)
    %add3A_324 = arith.constant 800 : i32
    %add3A_325 = arith.addi %mul3A_174, %add3A_324 : i32
    %dma_wait3A_326 = arith.constant 0 : i32
    %dma_wait3A_327 = arith.constant 0 : i32
    %dma_wait3A_328 = tpu.memref_slice %arg11[%dma_wait3A_326, %dma_wait3A_327] : memref<80x128xf32, #tpu.memory_space<vmem>> -> memref<40x128xf32, #tpu.memory_space<vmem>>
    %dma_wait3A_329 = arith.constant 0 : i32
    %dma_wait3A_330 = tpu.memref_slice %arg4[%add3A_325, %dma_wait3A_329] : memref<32000x128xf32, #tpu.memory_space<hbm>> -> memref<40x128xf32, #tpu.memory_space<hbm>>
    %dma_wait3A_331 = arith.constant 0 : i32
    %dma_wait3A_332 = arith.constant 0 : i32
    %dma_wait3A_333 = tpu.memref_slice %arg11[%dma_wait3A_331, %dma_wait3A_332] : memref<80x128xf32, #tpu.memory_space<vmem>> -> memref<40x128xf32, #tpu.memory_space<vmem>>
    %dma_wait3A_334 = arith.constant 0 : i32
    %dma_wait3A_335 = tpu.memref_slice %arg4[%add3A_325, %dma_wait3A_334] : memref<32000x128xf32, #tpu.memory_space<hbm>> -> memref<40x128xf32, #tpu.memory_space<hbm>>
    tpu.wait_dma2 semaphore(%arg21 : memref<!tpu.dma_semaphore, #tpu.memory_space<semaphore_mem>>) src(%dma_wait3A_335 : memref<40x128xf32, #tpu.memory_space<hbm>>) dst(%dma_wait3A_333 : memref<40x128xf32, #tpu.memory_space<vmem>>)
    %add3A_336 = arith.constant 32000 : i32
    %add3A_337 = arith.addi %add3A_336, %mul3A_174 : i32
    %add3A_338 = arith.constant 800 : i32
    %add3A_339 = arith.addi %add3A_337, %add3A_338 : i32
    %dma_wait3A_340 = tpu.memref_slice %arg5[%add3A_339] : memref<64000xi32, #tpu.memory_space<hbm>> -> memref<40xi32, #tpu.memory_space<hbm>>
    %dma_wait3A_341 = tpu.memref_slice %arg5[%add3A_339] : memref<64000xi32, #tpu.memory_space<hbm>> -> memref<40xi32, #tpu.memory_space<hbm>>
    tpu.wait_dma2 semaphore(%arg21 : memref<!tpu.dma_semaphore, #tpu.memory_space<semaphore_mem>>) src(%dma_wait3A_341 : memref<40xi32, #tpu.memory_space<hbm>>) dst(%arg17 : memref<40xi32, #tpu.memory_space<vmem>>)
    %dma_start3A_342 = arith.constant 0 : i32
    %dma_start3A_343 = arith.constant 0 : i32
    %dma_start3A_344 = tpu.memref_slice %arg11[%dma_start3A_342, %dma_start3A_343] : memref<80x128xf32, #tpu.memory_space<vmem>> -> memref<40x128xf32, #tpu.memory_space<vmem>>
    %dma_start3A_345 = arith.constant 0 : i32
    %dma_start3A_346 = arith.constant 0 : i32
    %dma_start3A_347 = tpu.memref_slice %arg18[%dma_start3A_345, %dma_start3A_346] : memref<10240x128xf32, #tpu.memory_space<vmem_shared>> -> memref<10240x128xf32, #tpu.memory_space<vmem_shared>>
    tpu.enqueue_indirect_dma source(%dma_start3A_344 : memref<40x128xf32, #tpu.memory_space<vmem>>) target(%dma_start3A_347 : memref<10240x128xf32, #tpu.memory_space<vmem_shared>>) offsets(%arg17 : memref<40xi32, #tpu.memory_space<vmem>>) semaphore(%arg24 : memref<!tpu.dma_semaphore, #tpu.memory_space<semaphore_mem>>) {add = true}
    %dma_wait3A_348 = arith.constant 0 : i32
    %dma_wait3A_349 = arith.constant 0 : i32
    %dma_wait3A_350 = tpu.memref_slice %arg10[%dma_wait3A_348, %dma_wait3A_349] : memref<80x128xf32, #tpu.memory_space<vmem>> -> memref<40x128xf32, #tpu.memory_space<vmem>>
    %dma_wait3A_351 = arith.constant 0 : i32
    %dma_wait3A_352 = arith.constant 0 : i32
    %dma_wait3A_353 = tpu.memref_slice %arg18[%dma_wait3A_351, %dma_wait3A_352] : memref<10240x128xf32, #tpu.memory_space<vmem_shared>> -> memref<10240x128xf32, #tpu.memory_space<vmem_shared>>
    tpu.wait_indirect_dma semaphore(%arg23 : memref<!tpu.dma_semaphore, #tpu.memory_space<semaphore_mem>>) src(%dma_wait3A_350 : memref<40x128xf32, #tpu.memory_space<vmem>>) dst(%dma_wait3A_353 : memref<10240x128xf32, #tpu.memory_space<vmem_shared>>)
    %add3A_354 = arith.constant 880 : i32
    %add3A_355 = arith.addi %mul3A_174, %add3A_354 : i32
    %dma_start3A_356 = arith.constant 0 : i32
    %dma_start3A_357 = arith.constant 0 : i32
    %dma_start3A_358 = tpu.memref_slice %arg10[%dma_start3A_356, %dma_start3A_357] : memref<80x128xf32, #tpu.memory_space<vmem>> -> memref<40x128xf32, #tpu.memory_space<vmem>>
    %dma_start3A_359 = arith.constant 0 : i32
    %dma_start3A_360 = tpu.memref_slice %arg4[%add3A_355, %dma_start3A_359] : memref<32000x128xf32, #tpu.memory_space<hbm>> -> memref<40x128xf32, #tpu.memory_space<hbm>>
    %dma_start3A_361 = arith.constant 0 : i32
    %dma_start3A_362 = arith.constant 0 : i32
    %dma_start3A_363 = tpu.memref_slice %arg10[%dma_start3A_361, %dma_start3A_362] : memref<80x128xf32, #tpu.memory_space<vmem>> -> memref<40x128xf32, #tpu.memory_space<vmem>>
    %dma_start3A_364 = arith.constant 0 : i32
    %dma_start3A_365 = tpu.memref_slice %arg4[%add3A_355, %dma_start3A_364] : memref<32000x128xf32, #tpu.memory_space<hbm>> -> memref<40x128xf32, #tpu.memory_space<hbm>>
    tpu.enqueue_dma source(%dma_start3A_365 : memref<40x128xf32, #tpu.memory_space<hbm>>) target(%dma_start3A_363 : memref<40x128xf32, #tpu.memory_space<vmem>>) target_semaphore(%arg20 : memref<!tpu.dma_semaphore, #tpu.memory_space<semaphore_mem>>)
    %add3A_366 = arith.constant 32000 : i32
    %add3A_367 = arith.addi %add3A_366, %mul3A_174 : i32
    %add3A_368 = arith.constant 880 : i32
    %add3A_369 = arith.addi %add3A_367, %add3A_368 : i32
    %dma_start3A_370 = tpu.memref_slice %arg5[%add3A_369] : memref<64000xi32, #tpu.memory_space<hbm>> -> memref<40xi32, #tpu.memory_space<hbm>>
    %dma_start3A_371 = tpu.memref_slice %arg5[%add3A_369] : memref<64000xi32, #tpu.memory_space<hbm>> -> memref<40xi32, #tpu.memory_space<hbm>>
    tpu.enqueue_dma source(%dma_start3A_371 : memref<40xi32, #tpu.memory_space<hbm>>) target(%arg16 : memref<40xi32, #tpu.memory_space<vmem>>) target_semaphore(%arg20 : memref<!tpu.dma_semaphore, #tpu.memory_space<semaphore_mem>>)
    %add3A_372 = arith.constant 840 : i32
    %add3A_373 = arith.addi %mul3A_174, %add3A_372 : i32
    %dma_wait3A_374 = arith.constant 0 : i32
    %dma_wait3A_375 = arith.constant 0 : i32
    %dma_wait3A_376 = tpu.memref_slice %arg9[%dma_wait3A_374, %dma_wait3A_375] : memref<80x128xf32, #tpu.memory_space<vmem>> -> memref<40x128xf32, #tpu.memory_space<vmem>>
    %dma_wait3A_377 = arith.constant 0 : i32
    %dma_wait3A_378 = tpu.memref_slice %arg4[%add3A_373, %dma_wait3A_377] : memref<32000x128xf32, #tpu.memory_space<hbm>> -> memref<40x128xf32, #tpu.memory_space<hbm>>
    %dma_wait3A_379 = arith.constant 0 : i32
    %dma_wait3A_380 = arith.constant 0 : i32
    %dma_wait3A_381 = tpu.memref_slice %arg9[%dma_wait3A_379, %dma_wait3A_380] : memref<80x128xf32, #tpu.memory_space<vmem>> -> memref<40x128xf32, #tpu.memory_space<vmem>>
    %dma_wait3A_382 = arith.constant 0 : i32
    %dma_wait3A_383 = tpu.memref_slice %arg4[%add3A_373, %dma_wait3A_382] : memref<32000x128xf32, #tpu.memory_space<hbm>> -> memref<40x128xf32, #tpu.memory_space<hbm>>
    tpu.wait_dma2 semaphore(%arg19 : memref<!tpu.dma_semaphore, #tpu.memory_space<semaphore_mem>>) src(%dma_wait3A_383 : memref<40x128xf32, #tpu.memory_space<hbm>>) dst(%dma_wait3A_381 : memref<40x128xf32, #tpu.memory_space<vmem>>)
    %add3A_384 = arith.constant 32000 : i32
    %add3A_385 = arith.addi %add3A_384, %mul3A_174 : i32
    %add3A_386 = arith.constant 840 : i32
    %add3A_387 = arith.addi %add3A_385, %add3A_386 : i32
    %dma_wait3A_388 = tpu.memref_slice %arg5[%add3A_387] : memref<64000xi32, #tpu.memory_space<hbm>> -> memref<40xi32, #tpu.memory_space<hbm>>
    %dma_wait3A_389 = tpu.memref_slice %arg5[%add3A_387] : memref<64000xi32, #tpu.memory_space<hbm>> -> memref<40xi32, #tpu.memory_space<hbm>>
    tpu.wait_dma2 semaphore(%arg19 : memref<!tpu.dma_semaphore, #tpu.memory_space<semaphore_mem>>) src(%dma_wait3A_389 : memref<40xi32, #tpu.memory_space<hbm>>) dst(%arg15 : memref<40xi32, #tpu.memory_space<vmem>>)
    %dma_start3A_390 = arith.constant 0 : i32
    %dma_start3A_391 = arith.constant 0 : i32
    %dma_start3A_392 = tpu.memref_slice %arg9[%dma_start3A_390, %dma_start3A_391] : memref<80x128xf32, #tpu.memory_space<vmem>> -> memref<40x128xf32, #tpu.memory_space<vmem>>
    %dma_start3A_393 = arith.constant 0 : i32
    %dma_start3A_394 = arith.constant 0 : i32
    %dma_start3A_395 = tpu.memref_slice %arg18[%dma_start3A_393, %dma_start3A_394] : memref<10240x128xf32, #tpu.memory_space<vmem_shared>> -> memref<10240x128xf32, #tpu.memory_space<vmem_shared>>
    tpu.enqueue_indirect_dma source(%dma_start3A_392 : memref<40x128xf32, #tpu.memory_space<vmem>>) target(%dma_start3A_395 : memref<10240x128xf32, #tpu.memory_space<vmem_shared>>) offsets(%arg15 : memref<40xi32, #tpu.memory_space<vmem>>) semaphore(%arg22 : memref<!tpu.dma_semaphore, #tpu.memory_space<semaphore_mem>>) {add = true}
    %dma_wait3A_396 = arith.constant 0 : i32
    %dma_wait3A_397 = arith.constant 0 : i32
    %dma_wait3A_398 = tpu.memref_slice %arg11[%dma_wait3A_396, %dma_wait3A_397] : memref<80x128xf32, #tpu.memory_space<vmem>> -> memref<40x128xf32, #tpu.memory_space<vmem>>
    %dma_wait3A_399 = arith.constant 0 : i32
    %dma_wait3A_400 = arith.constant 0 : i32
    %dma_wait3A_401 = tpu.memref_slice %arg18[%dma_wait3A_399, %dma_wait3A_400] : memref<10240x128xf32, #tpu.memory_space<vmem_shared>> -> memref<10240x128xf32, #tpu.memory_space<vmem_shared>>
    tpu.wait_indirect_dma semaphore(%arg24 : memref<!tpu.dma_semaphore, #tpu.memory_space<semaphore_mem>>) src(%dma_wait3A_398 : memref<40x128xf32, #tpu.memory_space<vmem>>) dst(%dma_wait3A_401 : memref<10240x128xf32, #tpu.memory_space<vmem_shared>>)
    %add3A_402 = arith.constant 920 : i32
    %add3A_403 = arith.addi %mul3A_174, %add3A_402 : i32
    %dma_start3A_404 = arith.constant 0 : i32
    %dma_start3A_405 = arith.constant 0 : i32
    %dma_start3A_406 = tpu.memref_slice %arg11[%dma_start3A_404, %dma_start3A_405] : memref<80x128xf32, #tpu.memory_space<vmem>> -> memref<40x128xf32, #tpu.memory_space<vmem>>
    %dma_start3A_407 = arith.constant 0 : i32
    %dma_start3A_408 = tpu.memref_slice %arg4[%add3A_403, %dma_start3A_407] : memref<32000x128xf32, #tpu.memory_space<hbm>> -> memref<40x128xf32, #tpu.memory_space<hbm>>
    %dma_start3A_409 = arith.constant 0 : i32
    %dma_start3A_410 = arith.constant 0 : i32
    %dma_start3A_411 = tpu.memref_slice %arg11[%dma_start3A_409, %dma_start3A_410] : memref<80x128xf32, #tpu.memory_space<vmem>> -> memref<40x128xf32, #tpu.memory_space<vmem>>
    %dma_start3A_412 = arith.constant 0 : i32
    %dma_start3A_413 = tpu.memref_slice %arg4[%add3A_403, %dma_start3A_412] : memref<32000x128xf32, #tpu.memory_space<hbm>> -> memref<40x128xf32, #tpu.memory_space<hbm>>
    tpu.enqueue_dma source(%dma_start3A_413 : memref<40x128xf32, #tpu.memory_space<hbm>>) target(%dma_start3A_411 : memref<40x128xf32, #tpu.memory_space<vmem>>) target_semaphore(%arg21 : memref<!tpu.dma_semaphore, #tpu.memory_space<semaphore_mem>>)
    %add3A_414 = arith.constant 32000 : i32
    %add3A_415 = arith.addi %add3A_414, %mul3A_174 : i32
    %add3A_416 = arith.constant 920 : i32
    %add3A_417 = arith.addi %add3A_415, %add3A_416 : i32
    %dma_start3A_418 = tpu.memref_slice %arg5[%add3A_417] : memref<64000xi32, #tpu.memory_space<hbm>> -> memref<40xi32, #tpu.memory_space<hbm>>
    %dma_start3A_419 = tpu.memref_slice %arg5[%add3A_417] : memref<64000xi32, #tpu.memory_space<hbm>> -> memref<40xi32, #tpu.memory_space<hbm>>
    tpu.enqueue_dma source(%dma_start3A_419 : memref<40xi32, #tpu.memory_space<hbm>>) target(%arg17 : memref<40xi32, #tpu.memory_space<vmem>>) target_semaphore(%arg21 : memref<!tpu.dma_semaphore, #tpu.memory_space<semaphore_mem>>)
    %add3A_420 = arith.constant 880 : i32
    %add3A_421 = arith.addi %mul3A_174, %add3A_420 : i32
    %dma_wait3A_422 = arith.constant 0 : i32
    %dma_wait3A_423 = arith.constant 0 : i32
    %dma_wait3A_424 = tpu.memref_slice %arg10[%dma_wait3A_422, %dma_wait3A_423] : memref<80x128xf32, #tpu.memory_space<vmem>> -> memref<40x128xf32, #tpu.memory_space<vmem>>
    %dma_wait3A_425 = arith.constant 0 : i32
    %dma_wait3A_426 = tpu.memref_slice %arg4[%add3A_421, %dma_wait3A_425] : memref<32000x128xf32, #tpu.memory_space<hbm>> -> memref<40x128xf32, #tpu.memory_space<hbm>>
    %dma_wait3A_427 = arith.constant 0 : i32
    %dma_wait3A_428 = arith.constant 0 : i32
    %dma_wait3A_429 = tpu.memref_slice %arg10[%dma_wait3A_427, %dma_wait3A_428] : memref<80x128xf32, #tpu.memory_space<vmem>> -> memref<40x128xf32, #tpu.memory_space<vmem>>
    %dma_wait3A_430 = arith.constant 0 : i32
    %dma_wait3A_431 = tpu.memref_slice %arg4[%add3A_421, %dma_wait3A_430] : memref<32000x128xf32, #tpu.memory_space<hbm>> -> memref<40x128xf32, #tpu.memory_space<hbm>>
    tpu.wait_dma2 semaphore(%arg20 : memref<!tpu.dma_semaphore, #tpu.memory_space<semaphore_mem>>) src(%dma_wait3A_431 : memref<40x128xf32, #tpu.memory_space<hbm>>) dst(%dma_wait3A_429 : memref<40x128xf32, #tpu.memory_space<vmem>>)
    %add3A_432 = arith.constant 32000 : i32
    %add3A_433 = arith.addi %add3A_432, %mul3A_174 : i32
    %add3A_434 = arith.constant 880 : i32
    %add3A_435 = arith.addi %add3A_433, %add3A_434 : i32
    %dma_wait3A_436 = tpu.memref_slice %arg5[%add3A_435] : memref<64000xi32, #tpu.memory_space<hbm>> -> memref<40xi32, #tpu.memory_space<hbm>>
    %dma_wait3A_437 = tpu.memref_slice %arg5[%add3A_435] : memref<64000xi32, #tpu.memory_space<hbm>> -> memref<40xi32, #tpu.memory_space<hbm>>
    tpu.wait_dma2 semaphore(%arg20 : memref<!tpu.dma_semaphore, #tpu.memory_space<semaphore_mem>>) src(%dma_wait3A_437 : memref<40xi32, #tpu.memory_space<hbm>>) dst(%arg16 : memref<40xi32, #tpu.memory_space<vmem>>)
    %dma_start3A_438 = arith.constant 0 : i32
    %dma_start3A_439 = arith.constant 0 : i32
    %dma_start3A_440 = tpu.memref_slice %arg10[%dma_start3A_438, %dma_start3A_439] : memref<80x128xf32, #tpu.memory_space<vmem>> -> memref<40x128xf32, #tpu.memory_space<vmem>>
    %dma_start3A_441 = arith.constant 0 : i32
    %dma_start3A_442 = arith.constant 0 : i32
    %dma_start3A_443 = tpu.memref_slice %arg18[%dma_start3A_441, %dma_start3A_442] : memref<10240x128xf32, #tpu.memory_space<vmem_shared>> -> memref<10240x128xf32, #tpu.memory_space<vmem_shared>>
    tpu.enqueue_indirect_dma source(%dma_start3A_440 : memref<40x128xf32, #tpu.memory_space<vmem>>) target(%dma_start3A_443 : memref<10240x128xf32, #tpu.memory_space<vmem_shared>>) offsets(%arg16 : memref<40xi32, #tpu.memory_space<vmem>>) semaphore(%arg23 : memref<!tpu.dma_semaphore, #tpu.memory_space<semaphore_mem>>) {add = true}
    %dma_wait3A_444 = arith.constant 0 : i32
    %dma_wait3A_445 = arith.constant 0 : i32
    %dma_wait3A_446 = tpu.memref_slice %arg9[%dma_wait3A_444, %dma_wait3A_445] : memref<80x128xf32, #tpu.memory_space<vmem>> -> memref<40x128xf32, #tpu.memory_space<vmem>>
    %dma_wait3A_447 = arith.constant 0 : i32
    %dma_wait3A_448 = arith.constant 0 : i32
    %dma_wait3A_449 = tpu.memref_slice %arg18[%dma_wait3A_447, %dma_wait3A_448] : memref<10240x128xf32, #tpu.memory_space<vmem_shared>> -> memref<10240x128xf32, #tpu.memory_space<vmem_shared>>
    tpu.wait_indirect_dma semaphore(%arg22 : memref<!tpu.dma_semaphore, #tpu.memory_space<semaphore_mem>>) src(%dma_wait3A_446 : memref<40x128xf32, #tpu.memory_space<vmem>>) dst(%dma_wait3A_449 : memref<10240x128xf32, #tpu.memory_space<vmem_shared>>)
    %add3A_450 = arith.constant 960 : i32
    %add3A_451 = arith.addi %mul3A_174, %add3A_450 : i32
    %dma_start3A_452 = arith.constant 0 : i32
    %dma_start3A_453 = arith.constant 0 : i32
    %dma_start3A_454 = tpu.memref_slice %arg9[%dma_start3A_452, %dma_start3A_453] : memref<80x128xf32, #tpu.memory_space<vmem>> -> memref<40x128xf32, #tpu.memory_space<vmem>>
    %dma_start3A_455 = arith.constant 0 : i32
    %dma_start3A_456 = tpu.memref_slice %arg4[%add3A_451, %dma_start3A_455] : memref<32000x128xf32, #tpu.memory_space<hbm>> -> memref<40x128xf32, #tpu.memory_space<hbm>>
    %dma_start3A_457 = arith.constant 0 : i32
    %dma_start3A_458 = arith.constant 0 : i32
    %dma_start3A_459 = tpu.memref_slice %arg9[%dma_start3A_457, %dma_start3A_458] : memref<80x128xf32, #tpu.memory_space<vmem>> -> memref<40x128xf32, #tpu.memory_space<vmem>>
    %dma_start3A_460 = arith.constant 0 : i32
    %dma_start3A_461 = tpu.memref_slice %arg4[%add3A_451, %dma_start3A_460] : memref<32000x128xf32, #tpu.memory_space<hbm>> -> memref<40x128xf32, #tpu.memory_space<hbm>>
    tpu.enqueue_dma source(%dma_start3A_461 : memref<40x128xf32, #tpu.memory_space<hbm>>) target(%dma_start3A_459 : memref<40x128xf32, #tpu.memory_space<vmem>>) target_semaphore(%arg19 : memref<!tpu.dma_semaphore, #tpu.memory_space<semaphore_mem>>)
    %add3A_462 = arith.constant 32000 : i32
    %add3A_463 = arith.addi %add3A_462, %mul3A_174 : i32
    %add3A_464 = arith.constant 960 : i32
    %add3A_465 = arith.addi %add3A_463, %add3A_464 : i32
    %dma_start3A_466 = tpu.memref_slice %arg5[%add3A_465] : memref<64000xi32, #tpu.memory_space<hbm>> -> memref<40xi32, #tpu.memory_space<hbm>>
    %dma_start3A_467 = tpu.memref_slice %arg5[%add3A_465] : memref<64000xi32, #tpu.memory_space<hbm>> -> memref<40xi32, #tpu.memory_space<hbm>>
    tpu.enqueue_dma source(%dma_start3A_467 : memref<40xi32, #tpu.memory_space<hbm>>) target(%arg15 : memref<40xi32, #tpu.memory_space<vmem>>) target_semaphore(%arg19 : memref<!tpu.dma_semaphore, #tpu.memory_space<semaphore_mem>>)
    %add3A_468 = arith.constant 920 : i32
    %add3A_469 = arith.addi %mul3A_174, %add3A_468 : i32
    %dma_wait3A_470 = arith.constant 0 : i32
    %dma_wait3A_471 = arith.constant 0 : i32
    %dma_wait3A_472 = tpu.memref_slice %arg11[%dma_wait3A_470, %dma_wait3A_471] : memref<80x128xf32, #tpu.memory_space<vmem>> -> memref<40x128xf32, #tpu.memory_space<vmem>>
    %dma_wait3A_473 = arith.constant 0 : i32
    %dma_wait3A_474 = tpu.memref_slice %arg4[%add3A_469, %dma_wait3A_473] : memref<32000x128xf32, #tpu.memory_space<hbm>> -> memref<40x128xf32, #tpu.memory_space<hbm>>
    %dma_wait3A_475 = arith.constant 0 : i32
    %dma_wait3A_476 = arith.constant 0 : i32
    %dma_wait3A_477 = tpu.memref_slice %arg11[%dma_wait3A_475, %dma_wait3A_476] : memref<80x128xf32, #tpu.memory_space<vmem>> -> memref<40x128xf32, #tpu.memory_space<vmem>>
    %dma_wait3A_478 = arith.constant 0 : i32
    %dma_wait3A_479 = tpu.memref_slice %arg4[%add3A_469, %dma_wait3A_478] : memref<32000x128xf32, #tpu.memory_space<hbm>> -> memref<40x128xf32, #tpu.memory_space<hbm>>
    tpu.wait_dma2 semaphore(%arg21 : memref<!tpu.dma_semaphore, #tpu.memory_space<semaphore_mem>>) src(%dma_wait3A_479 : memref<40x128xf32, #tpu.memory_space<hbm>>) dst(%dma_wait3A_477 : memref<40x128xf32, #tpu.memory_space<vmem>>)
    %add3A_480 = arith.constant 32000 : i32
    %add3A_481 = arith.addi %add3A_480, %mul3A_174 : i32
    %add3A_482 = arith.constant 920 : i32
    %add3A_483 = arith.addi %add3A_481, %add3A_482 : i32
    %dma_wait3A_484 = tpu.memref_slice %arg5[%add3A_483] : memref<64000xi32, #tpu.memory_space<hbm>> -> memref<40xi32, #tpu.memory_space<hbm>>
    %dma_wait3A_485 = tpu.memref_slice %arg5[%add3A_483] : memref<64000xi32, #tpu.memory_space<hbm>> -> memref<40xi32, #tpu.memory_space<hbm>>
    tpu.wait_dma2 semaphore(%arg21 : memref<!tpu.dma_semaphore, #tpu.memory_space<semaphore_mem>>) src(%dma_wait3A_485 : memref<40xi32, #tpu.memory_space<hbm>>) dst(%arg17 : memref<40xi32, #tpu.memory_space<vmem>>)
    %dma_start3A_486 = arith.constant 0 : i32
    %dma_start3A_487 = arith.constant 0 : i32
    %dma_start3A_488 = tpu.memref_slice %arg11[%dma_start3A_486, %dma_start3A_487] : memref<80x128xf32, #tpu.memory_space<vmem>> -> memref<40x128xf32, #tpu.memory_space<vmem>>
    %dma_start3A_489 = arith.constant 0 : i32
    %dma_start3A_490 = arith.constant 0 : i32
    %dma_start3A_491 = tpu.memref_slice %arg18[%dma_start3A_489, %dma_start3A_490] : memref<10240x128xf32, #tpu.memory_space<vmem_shared>> -> memref<10240x128xf32, #tpu.memory_space<vmem_shared>>
    tpu.enqueue_indirect_dma source(%dma_start3A_488 : memref<40x128xf32, #tpu.memory_space<vmem>>) target(%dma_start3A_491 : memref<10240x128xf32, #tpu.memory_space<vmem_shared>>) offsets(%arg17 : memref<40xi32, #tpu.memory_space<vmem>>) semaphore(%arg24 : memref<!tpu.dma_semaphore, #tpu.memory_space<semaphore_mem>>) {add = true}
    %dma_wait3A_492 = arith.constant 0 : i32
    %dma_wait3A_493 = arith.constant 0 : i32
    %dma_wait3A_494 = tpu.memref_slice %arg10[%dma_wait3A_492, %dma_wait3A_493] : memref<80x128xf32, #tpu.memory_space<vmem>> -> memref<40x128xf32, #tpu.memory_space<vmem>>
    %dma_wait3A_495 = arith.constant 0 : i32
    %dma_wait3A_496 = arith.constant 0 : i32
    %dma_wait3A_497 = tpu.memref_slice %arg18[%dma_wait3A_495, %dma_wait3A_496] : memref<10240x128xf32, #tpu.memory_space<vmem_shared>> -> memref<10240x128xf32, #tpu.memory_space<vmem_shared>>
    tpu.wait_indirect_dma semaphore(%arg23 : memref<!tpu.dma_semaphore, #tpu.memory_space<semaphore_mem>>) src(%dma_wait3A_494 : memref<40x128xf32, #tpu.memory_space<vmem>>) dst(%dma_wait3A_497 : memref<10240x128xf32, #tpu.memory_space<vmem_shared>>)
    %add3A_498 = arith.constant 960 : i32
    %add3A_499 = arith.addi %mul3A_174, %add3A_498 : i32
    %dma_wait3A_500 = arith.constant 0 : i32
    %dma_wait3A_501 = arith.constant 0 : i32
    %dma_wait3A_502 = tpu.memref_slice %arg9[%dma_wait3A_500, %dma_wait3A_501] : memref<80x128xf32, #tpu.memory_space<vmem>> -> memref<40x128xf32, #tpu.memory_space<vmem>>
    %dma_wait3A_503 = arith.constant 0 : i32
    %dma_wait3A_504 = tpu.memref_slice %arg4[%add3A_499, %dma_wait3A_503] : memref<32000x128xf32, #tpu.memory_space<hbm>> -> memref<40x128xf32, #tpu.memory_space<hbm>>
    %dma_wait3A_505 = arith.constant 0 : i32
    %dma_wait3A_506 = arith.constant 0 : i32
    %dma_wait3A_507 = tpu.memref_slice %arg9[%dma_wait3A_505, %dma_wait3A_506] : memref<80x128xf32, #tpu.memory_space<vmem>> -> memref<40x128xf32, #tpu.memory_space<vmem>>
    %dma_wait3A_508 = arith.constant 0 : i32
    %dma_wait3A_509 = tpu.memref_slice %arg4[%add3A_499, %dma_wait3A_508] : memref<32000x128xf32, #tpu.memory_space<hbm>> -> memref<40x128xf32, #tpu.memory_space<hbm>>
    tpu.wait_dma2 semaphore(%arg19 : memref<!tpu.dma_semaphore, #tpu.memory_space<semaphore_mem>>) src(%dma_wait3A_509 : memref<40x128xf32, #tpu.memory_space<hbm>>) dst(%dma_wait3A_507 : memref<40x128xf32, #tpu.memory_space<vmem>>)
    %add3A_510 = arith.constant 32000 : i32
    %add3A_511 = arith.addi %add3A_510, %mul3A_174 : i32
    %add3A_512 = arith.constant 960 : i32
    %add3A_513 = arith.addi %add3A_511, %add3A_512 : i32
    %dma_wait3A_514 = tpu.memref_slice %arg5[%add3A_513] : memref<64000xi32, #tpu.memory_space<hbm>> -> memref<40xi32, #tpu.memory_space<hbm>>
    %dma_wait3A_515 = tpu.memref_slice %arg5[%add3A_513] : memref<64000xi32, #tpu.memory_space<hbm>> -> memref<40xi32, #tpu.memory_space<hbm>>
    tpu.wait_dma2 semaphore(%arg19 : memref<!tpu.dma_semaphore, #tpu.memory_space<semaphore_mem>>) src(%dma_wait3A_515 : memref<40xi32, #tpu.memory_space<hbm>>) dst(%arg15 : memref<40xi32, #tpu.memory_space<vmem>>)
    %dma_start3A_516 = arith.constant 0 : i32
    %dma_start3A_517 = arith.constant 0 : i32
    %dma_start3A_518 = tpu.memref_slice %arg9[%dma_start3A_516, %dma_start3A_517] : memref<80x128xf32, #tpu.memory_space<vmem>> -> memref<40x128xf32, #tpu.memory_space<vmem>>
    %dma_start3A_519 = arith.constant 0 : i32
    %dma_start3A_520 = arith.constant 0 : i32
    %dma_start3A_521 = tpu.memref_slice %arg18[%dma_start3A_519, %dma_start3A_520] : memref<10240x128xf32, #tpu.memory_space<vmem_shared>> -> memref<10240x128xf32, #tpu.memory_space<vmem_shared>>
    tpu.enqueue_indirect_dma source(%dma_start3A_518 : memref<40x128xf32, #tpu.memory_space<vmem>>) target(%dma_start3A_521 : memref<10240x128xf32, #tpu.memory_space<vmem_shared>>) offsets(%arg15 : memref<40xi32, #tpu.memory_space<vmem>>) semaphore(%arg22 : memref<!tpu.dma_semaphore, #tpu.memory_space<semaphore_mem>>) {add = true}
    %dma_wait3A_522 = arith.constant 0 : i32
    %dma_wait3A_523 = arith.constant 0 : i32
    %dma_wait3A_524 = tpu.memref_slice %arg11[%dma_wait3A_522, %dma_wait3A_523] : memref<80x128xf32, #tpu.memory_space<vmem>> -> memref<40x128xf32, #tpu.memory_space<vmem>>
    %dma_wait3A_525 = arith.constant 0 : i32
    %dma_wait3A_526 = arith.constant 0 : i32
    %dma_wait3A_527 = tpu.memref_slice %arg18[%dma_wait3A_525, %dma_wait3A_526] : memref<10240x128xf32, #tpu.memory_space<vmem_shared>> -> memref<10240x128xf32, #tpu.memory_space<vmem_shared>>
    tpu.wait_indirect_dma semaphore(%arg24 : memref<!tpu.dma_semaphore, #tpu.memory_space<semaphore_mem>>) src(%dma_wait3A_524 : memref<40x128xf32, #tpu.memory_space<vmem>>) dst(%dma_wait3A_527 : memref<10240x128xf32, #tpu.memory_space<vmem_shared>>)
    %dma_wait3A_528 = arith.constant 0 : i32
    %dma_wait3A_529 = arith.constant 0 : i32
    %dma_wait3A_530 = tpu.memref_slice %arg9[%dma_wait3A_528, %dma_wait3A_529] : memref<80x128xf32, #tpu.memory_space<vmem>> -> memref<40x128xf32, #tpu.memory_space<vmem>>
    %dma_wait3A_531 = arith.constant 0 : i32
    %dma_wait3A_532 = arith.constant 0 : i32
    %dma_wait3A_533 = tpu.memref_slice %arg18[%dma_wait3A_531, %dma_wait3A_532] : memref<10240x128xf32, #tpu.memory_space<vmem_shared>> -> memref<10240x128xf32, #tpu.memory_space<vmem_shared>>
    tpu.wait_indirect_dma semaphore(%arg22 : memref<!tpu.dma_semaphore, #tpu.memory_space<semaphore_mem>>) src(%dma_wait3A_530 : memref<40x128xf32, #tpu.memory_space<vmem>>) dst(%dma_wait3A_533 : memref<10240x128xf32, #tpu.memory_space<vmem_shared>>)
    %barrier3A_534 = arith.constant 0 : index
    tpu.barrier barrier_id(%barrier3A_534)
    "tpu.region"() ({
      %run_scoped3A = tpu.sem_alloc : memref<!tpu.dma_semaphore, #tpu.memory_space<semaphore_mem>>
      %dma_start3A_535 = arith.constant 0 : i32
      %dma_start3A_536 = tpu.memref_slice %arg8[%arg0, %mul3A_2, %dma_start3A_535] : memref<2x10240x128xf32, #tpu.memory_space<hbm>> -> memref<1x640x128xf32, #tpu.memory_space<hbm>>
      %dma_start3A_537 = tpu.memref_squeeze %dma_start3A_536 : memref<1x640x128xf32, #tpu.memory_space<hbm>> -> memref<640x128xf32, #tpu.memory_space<hbm>>
      %dma_start3A_538 = arith.constant 0 : i32
      %dma_start3A_539 = tpu.memref_slice %arg18[%mul3A_2, %dma_start3A_538] : memref<10240x128xf32, #tpu.memory_space<vmem_shared>> -> memref<640x128xf32, #tpu.memory_space<vmem_shared>>
      tpu.enqueue_dma source(%dma_start3A_539 : memref<640x128xf32, #tpu.memory_space<vmem_shared>>) target(%dma_start3A_537 : memref<640x128xf32, #tpu.memory_space<hbm>>) target_semaphore(%run_scoped3A : memref<!tpu.dma_semaphore, #tpu.memory_space<semaphore_mem>>)
      %dma_wait3A_540 = arith.constant 0 : i32
      %dma_wait3A_541 = tpu.memref_slice %arg8[%arg0, %mul3A_2, %dma_wait3A_540] : memref<2x10240x128xf32, #tpu.memory_space<hbm>> -> memref<1x640x128xf32, #tpu.memory_space<hbm>>
      %dma_wait3A_542 = tpu.memref_squeeze %dma_wait3A_541 : memref<1x640x128xf32, #tpu.memory_space<hbm>> -> memref<640x128xf32, #tpu.memory_space<hbm>>
      %dma_wait3A_543 = arith.constant 0 : i32
      %dma_wait3A_544 = tpu.memref_slice %arg18[%mul3A_2, %dma_wait3A_543] : memref<10240x128xf32, #tpu.memory_space<vmem_shared>> -> memref<640x128xf32, #tpu.memory_space<vmem_shared>>
      tpu.wait_dma2 semaphore(%run_scoped3A : memref<!tpu.dma_semaphore, #tpu.memory_space<semaphore_mem>>) src(%dma_wait3A_544 : memref<640x128xf32, #tpu.memory_space<vmem_shared>>) dst(%dma_wait3A_542 : memref<640x128xf32, #tpu.memory_space<hbm>>)
      tpu.yield
    }) : () -> ()
    return
  }
}

module attributes {stable_mosaic.version = 14 : i64} {
  func.func @_tc_mlp_body(%arg0: i32, %arg1: memref<2000x128xf32, #tpu.memory_space<vmem>>, %arg2: memref<1x2000x128xf32, #tpu.memory_space<vmem>>, %arg3: memref<1x2000x128xf32, #tpu.memory_space<vmem>>, %arg4: memref<1x2000x128xf32, #tpu.memory_space<vmem>>, %arg5: memref<1x2000x128xf32, #tpu.memory_space<vmem>>, %arg6: memref<128x128xf32, #tpu.memory_space<vmem>>, %arg7: memref<128x128xf32, #tpu.memory_space<vmem>>, %arg8: memref<128x128xf32, #tpu.memory_space<vmem>>, %arg9: memref<1x128xf32, #tpu.memory_space<vmem>>, %arg10: memref<128x128xf32, #tpu.memory_space<vmem>>, %arg11: memref<1x128xf32, #tpu.memory_space<vmem>>, %arg12: memref<2000x128xf32, #tpu.memory_space<vmem>>) attributes {dimension_semantics = [#tpu.dimension_semantics<arbitrary>], iteration_bounds = array<i64: 5>, scalar_prefetch = 0 : i64, scratch_operands = 0 : i64, tpu.core_type = #tpu.core_type<tc>, window_params = [{transform_indices = @transform_0, window_bounds = array<i64: 2000, 128>}, {transform_indices = @transform_1, window_bounds = array<i64: 1, 2000, 128>}, {transform_indices = @transform_2, window_bounds = array<i64: 1, 2000, 128>}, {transform_indices = @transform_3, window_bounds = array<i64: 1, 2000, 128>}, {transform_indices = @transform_4, window_bounds = array<i64: 1, 2000, 128>}, {pipeline_mode = #tpu.pipeline_mode<synchronous>, transform_indices = @transform_5, window_bounds = array<i64: 128, 128>}, {pipeline_mode = #tpu.pipeline_mode<synchronous>, transform_indices = @transform_6, window_bounds = array<i64: 128, 128>}, {pipeline_mode = #tpu.pipeline_mode<synchronous>, transform_indices = @transform_7, window_bounds = array<i64: 128, 128>}, {pipeline_mode = #tpu.pipeline_mode<synchronous>, transform_indices = @transform_8, window_bounds = array<i64: 1, 128>}, {pipeline_mode = #tpu.pipeline_mode<synchronous>, transform_indices = @transform_9, window_bounds = array<i64: 128, 128>}, {pipeline_mode = #tpu.pipeline_mode<synchronous>, transform_indices = @transform_10, window_bounds = array<i64: 1, 128>}, {transform_indices = @transform_11, window_bounds = array<i64: 2000, 128>}]} {
    %get3A = arith.constant 0 : index
    %get3A_0 = arith.constant 0 : index
    %get3A_1 = arith.constant 0 : index
    %get3A_2 = vector.load %arg2[%get3A, %get3A_0, %get3A_1] : memref<1x2000x128xf32, #tpu.memory_space<vmem>>, vector<1x2000x128xf32>
    %get3A_3 = vector.shape_cast %get3A_2 : vector<1x2000x128xf32> to vector<2000x128xf32>
    %get3A_4 = arith.constant 0 : index
    %get3A_5 = arith.constant 0 : index
    %get3A_6 = arith.constant 0 : index
    %get3A_7 = vector.load %arg3[%get3A_4, %get3A_5, %get3A_6] : memref<1x2000x128xf32, #tpu.memory_space<vmem>>, vector<1x2000x128xf32>
    %get3A_8 = vector.shape_cast %get3A_7 : vector<1x2000x128xf32> to vector<2000x128xf32>
    %add3A = arith.addf %get3A_3, %get3A_8 : vector<2000x128xf32>
    %get3A_9 = arith.constant 0 : index
    %get3A_10 = arith.constant 0 : index
    %get3A_11 = arith.constant 0 : index
    %get3A_12 = vector.load %arg4[%get3A_9, %get3A_10, %get3A_11] : memref<1x2000x128xf32, #tpu.memory_space<vmem>>, vector<1x2000x128xf32>
    %get3A_13 = vector.shape_cast %get3A_12 : vector<1x2000x128xf32> to vector<2000x128xf32>
    %get3A_14 = arith.constant 0 : index
    %get3A_15 = arith.constant 0 : index
    %get3A_16 = arith.constant 0 : index
    %get3A_17 = vector.load %arg5[%get3A_14, %get3A_15, %get3A_16] : memref<1x2000x128xf32, #tpu.memory_space<vmem>>, vector<1x2000x128xf32>
    %get3A_18 = vector.shape_cast %get3A_17 : vector<1x2000x128xf32> to vector<2000x128xf32>
    %add3A_19 = arith.addf %get3A_13, %get3A_18 : vector<2000x128xf32>
    %get3A_20 = arith.constant 0 : index
    %get3A_21 = arith.constant 0 : index
    %get3A_22 = vector.load %arg1[%get3A_20, %get3A_21] : memref<2000x128xf32, #tpu.memory_space<vmem>>, vector<2000x128xf32>
    %get3A_23 = arith.constant 0 : index
    %get3A_24 = arith.constant 0 : index
    %get3A_25 = vector.load %arg6[%get3A_23, %get3A_24] : memref<128x128xf32, #tpu.memory_space<vmem>>, vector<128x128xf32>
    %dot_general3A = arith.constant dense<0.000000e+00> : vector<2000x128xf32>
    %dot_general3A_26 = tpu.matmul %get3A_22, %get3A_25, %dot_general3A {dimension_numbers = #tpu.dot_dimension_numbers<[1], [0], [0], [1], [0, 0, 1, 1], [], []>, transpose_lhs_hint = false} : vector<2000x128xf32>, vector<128x128xf32>, vector<2000x128xf32> -> vector<2000x128xf32>
    %get3A_27 = arith.constant 0 : index
    %get3A_28 = arith.constant 0 : index
    %get3A_29 = vector.load %arg7[%get3A_27, %get3A_28] : memref<128x128xf32, #tpu.memory_space<vmem>>, vector<128x128xf32>
    %dot_general3A_30 = arith.constant dense<0.000000e+00> : vector<2000x128xf32>
    %dot_general3A_31 = tpu.matmul %add3A, %get3A_29, %dot_general3A_30 {dimension_numbers = #tpu.dot_dimension_numbers<[1], [0], [0], [1], [0, 0, 1, 1], [], []>, transpose_lhs_hint = false} : vector<2000x128xf32>, vector<128x128xf32>, vector<2000x128xf32> -> vector<2000x128xf32>
    %add3A_32 = arith.addf %dot_general3A_26, %dot_general3A_31 : vector<2000x128xf32>
    %get3A_33 = arith.constant 0 : index
    %get3A_34 = arith.constant 0 : index
    %get3A_35 = vector.load %arg8[%get3A_33, %get3A_34] : memref<128x128xf32, #tpu.memory_space<vmem>>, vector<128x128xf32>
    %dot_general3A_36 = arith.constant dense<0.000000e+00> : vector<2000x128xf32>
    %dot_general3A_37 = tpu.matmul %add3A_19, %get3A_35, %dot_general3A_36 {dimension_numbers = #tpu.dot_dimension_numbers<[1], [0], [0], [1], [0, 0, 1, 1], [], []>, transpose_lhs_hint = false} : vector<2000x128xf32>, vector<128x128xf32>, vector<2000x128xf32> -> vector<2000x128xf32>
    %add3A_38 = arith.addf %add3A_32, %dot_general3A_37 : vector<2000x128xf32>
    %get3A_39 = arith.constant 0 : index
    %get3A_40 = arith.constant 0 : index
    %get3A_41 = vector.load %arg9[%get3A_39, %get3A_40] : memref<1x128xf32, #tpu.memory_space<vmem>>, vector<1x128xf32>
    %add3A_42 = vector.broadcast %get3A_41 : vector<1x128xf32> to vector<2000x128xf32>
    %add3A_43 = arith.addf %add3A_38, %add3A_42 : vector<2000x128xf32>
    %max3A = arith.constant 0.000000e+00 : f32
    %max3A_44 = vector.broadcast %max3A : f32 to vector<2000x128xf32>
    %max3A_45 = arith.maximumf %add3A_43, %max3A_44 : vector<2000x128xf32>
    %get3A_46 = arith.constant 0 : index
    %get3A_47 = arith.constant 0 : index
    %get3A_48 = vector.load %arg10[%get3A_46, %get3A_47] : memref<128x128xf32, #tpu.memory_space<vmem>>, vector<128x128xf32>
    %dot_general3A_49 = arith.constant dense<0.000000e+00> : vector<2000x128xf32>
    %dot_general3A_50 = tpu.matmul %max3A_45, %get3A_48, %dot_general3A_49 {dimension_numbers = #tpu.dot_dimension_numbers<[1], [0], [0], [1], [0, 0, 1, 1], [], []>, transpose_lhs_hint = false} : vector<2000x128xf32>, vector<128x128xf32>, vector<2000x128xf32> -> vector<2000x128xf32>
    %get3A_51 = arith.constant 0 : index
    %get3A_52 = arith.constant 0 : index
    %get3A_53 = vector.load %arg11[%get3A_51, %get3A_52] : memref<1x128xf32, #tpu.memory_space<vmem>>, vector<1x128xf32>
    %add3A_54 = vector.broadcast %get3A_53 : vector<1x128xf32> to vector<2000x128xf32>
    %add3A_55 = arith.addf %dot_general3A_50, %add3A_54 : vector<2000x128xf32>
    %swap3A = arith.constant 0 : index
    %swap3A_56 = arith.constant 0 : index
    %swap3A_57 = vector.load %arg12[%swap3A, %swap3A_56] : memref<2000x128xf32, #tpu.memory_space<vmem>>, vector<2000x128xf32>
    tpu.vector_store %arg12[%swap3A, %swap3A_56], %add3A_55 {strides = array<i32>} : memref<2000x128xf32, #tpu.memory_space<vmem>>, vector<2000x128xf32>,
    return
  }
  func.func @transform_0(%arg0: i32) -> (i32, i32) {
    %c0_i32 = arith.constant 0 : i32
    %c0_i32_0 = arith.constant 0 : i32
    return %arg0, %c0_i32 : i32, i32
  }
  func.func @transform_1(%arg0: i32) -> (i32, i32, i32) {
    %c0_i32 = arith.constant 0 : i32
    %c0_i32_0 = arith.constant 0 : i32
    %c0_i32_1 = arith.constant 0 : i32
    return %c0_i32, %arg0, %c0_i32_0 : i32, i32, i32
  }
  func.func @transform_2(%arg0: i32) -> (i32, i32, i32) {
    %c1_i32 = arith.constant 1 : i32
    %c0_i32 = arith.constant 0 : i32
    %c0_i32_0 = arith.constant 0 : i32
    return %c1_i32, %arg0, %c0_i32 : i32, i32, i32
  }
  func.func @transform_3(%arg0: i32) -> (i32, i32, i32) {
    %c0_i32 = arith.constant 0 : i32
    %c0_i32_0 = arith.constant 0 : i32
    %c0_i32_1 = arith.constant 0 : i32
    return %c0_i32, %arg0, %c0_i32_0 : i32, i32, i32
  }
  func.func @transform_4(%arg0: i32) -> (i32, i32, i32) {
    %c1_i32 = arith.constant 1 : i32
    %c0_i32 = arith.constant 0 : i32
    %c0_i32_0 = arith.constant 0 : i32
    return %c1_i32, %arg0, %c0_i32 : i32, i32, i32
  }
  func.func @transform_5(%arg0: i32) -> (i32, i32) {
    %c0_i32 = arith.constant 0 : i32
    %c0_i32_0 = arith.constant 0 : i32
    %c0_i32_1 = arith.constant 0 : i32
    return %c0_i32, %c0_i32_0 : i32, i32
  }
  func.func @transform_6(%arg0: i32) -> (i32, i32) {
    %c0_i32 = arith.constant 0 : i32
    %c0_i32_0 = arith.constant 0 : i32
    %c0_i32_1 = arith.constant 0 : i32
    return %c0_i32, %c0_i32_0 : i32, i32
  }
  func.func @transform_7(%arg0: i32) -> (i32, i32) {
    %c0_i32 = arith.constant 0 : i32
    %c0_i32_0 = arith.constant 0 : i32
    %c0_i32_1 = arith.constant 0 : i32
    return %c0_i32, %c0_i32_0 : i32, i32
  }
  func.func @transform_8(%arg0: i32) -> (i32, i32) {
    %c0_i32 = arith.constant 0 : i32
    %c0_i32_0 = arith.constant 0 : i32
    %c0_i32_1 = arith.constant 0 : i32
    return %c0_i32, %c0_i32_0 : i32, i32
  }
  func.func @transform_9(%arg0: i32) -> (i32, i32) {
    %c0_i32 = arith.constant 0 : i32
    %c0_i32_0 = arith.constant 0 : i32
    %c0_i32_1 = arith.constant 0 : i32
    return %c0_i32, %c0_i32_0 : i32, i32
  }
  func.func @transform_10(%arg0: i32) -> (i32, i32) {
    %c0_i32 = arith.constant 0 : i32
    %c0_i32_0 = arith.constant 0 : i32
    %c0_i32_1 = arith.constant 0 : i32
    return %c0_i32, %c0_i32_0 : i32, i32
  }
  func.func @transform_11(%arg0: i32) -> (i32, i32) {
    %c0_i32 = arith.constant 0 : i32
    %c0_i32_0 = arith.constant 0 : i32
    return %arg0, %c0_i32 : i32, i32
  }
}

</mosaic_0001>

<sc_bundles>
// kernel: kernel.4.cloned.1.call-start
scs
__scs_entry_jumppad:
0x0: {  	(pc) =	sbr.rel $0x88, $3  }
0x1: {  	(tag) =	ssettag $0x0;
	lr =	simm.s32 $0x1  }
0x2: {  	[smem:$0x3F98] =	sst lr;
	_ =	strace $0xD0000000  }
0x3: {  	_ = 	snop  }
0x4: {  	_ = 	snop  }
0x5: {  	_ = 	snop  }
0x6: {  	_ = 	snop  }
0x7: {  	_ = 	snop  }
__scs_overlays_trampoline_lowered:
0x8: {  	[smem:$0x3FA7] =	sst s0  }
0x9: {  	[smem:$0x3FA8] =	sst s1  }
0xa: {  	[smem:$0x3FA9] =	sst s2  }
0xb: {  	[smem:$0x3FAA] =	sst s3  }
0xc: {  	[smem:$0x3FAB] =	sst s4  }
0xd: {  	[smem:$0x3FAC] =	sst s5  }
0xe: {  	[smem:$0x3FAD] =	sst s6  }
0xf: {  	[smem:$0x3FAE] =	sst s7  }
0x10: {  	[smem:$0x3FAF] =	sst s8  }
0x11: {  	[smem:$0x3FB0] =	sst s9;
	s0 =	simm.s32 @!p0 $0x0  }
0x12: {  	s1 =	sld [smem:$0x3F96];
	s0 =	simm.s32 @p0 $0x1  }
0x13: {  	[smem:$0x3FB1] =	sst s0;
	s0 =	simm.s32 @!p1 $0x0  }
0x14: {  	s2 =	sld [smem:$0x3F95];
	s0 =	simm.s32 @p1 $0x1  }
0x15: {  	[smem:$0x3FB2] =	sst s0;
	s0 =	simm.s32 @!p2 $0x0  }
0x16: {  	s3 =	sld [smem:$0x3FDB];
	s0 =	simm.s32 @p2 $0x1  }
0x17: {  	s4 =	simm.s32 $0x1BF5;
	[smem:$0x3FB4] =	sst s0  }
0x18: {  	s0 =	sld [smem:$0x3F97];
	_ =	swait.ge [sflag:s4], $0x0  }
0x19: {  	s7 =	sld [smem:$0x3F98]  }
0x1a: {  	s8 =	sadd.s32 $0xFFFFE003, lr  }
0x1b: {  	s9 =	sadd.s32 $0xFFFFFEF7, lr;
	s5 =	simm.s32 $0xFFFFFFFF;
	p2 =	slt.u32 s8, $0xFFFFF086  }
0x1c: {  	p1 =	slt.u32 s9, $0xF7A;
	s5 =	simm.s32 @!p2 $0x0  }
0x1d: {  	s5 =	simm.s32 @p1 $0x1;
	p0 =	seq.s32 s7, s2  }
0x1e: {  	s7 =	smul.u32 @!p0 $0xF7A, s2;
	p2 =	seq.s32 @!p0 s5, $0x0  }
0x1f: {  	s9 =	smul.u32 $0xF7A, s1;
	s8 =	simm.s32 @!p0 $0x1BF5;
	p2 =	por !p2, p0  }
0x20: {  	[sflag:s8] =	ssyncset.s32 @!p0 $0xFFFFF086;
	s6 =	sadd.s32 @!p0 s3, s7;
	s7 =	simm.s32 @!p0 $0x108  }
0x21: {  	s3 =	sadd.s32 s3, s9;
	s6 =	sadd.s32 @!p0 $0x88, s6;
	s7 =	simm.s32 @p2 $0x1082  }
0x22: {  	[simem:s7], [sflag:s8] =	dma.local @!p0 [hbm:s6], $0xF7A  }
0x23: {  	s9 =	sor.u32 $0xD0000000, s2;
	s6 =	simm.s32 $0x108;
	_ =	swait.ge @!p0 [sflag:s8], $0x0  }
0x24: {  	s3 =	sadd.s32 $0x88, s3;
	s6 =	simm.s32 @!p1 $0x1082;
	[sflag:s4] =	ssyncset.s32 $0xFFFFF086  }
0x25: {  	[simem:s6], [sflag:s4] =	dma.local [hbm:s3], $0xF7A  }
0x26: {  	[smem:$0x3F98] =	sst s1;
	(tag) =	ssettag s2;
	_ =	strace s9  }
0x27: {  	s1 =	sld [smem:$0x3FA8]  }
0x28: {  	s2 =	sld [smem:$0x3FA9]  }
0x29: {  	s4 =	sld [smem:$0x3FAB]  }
0x2a: {  	p0 =	seq.s32 s5, $0x0;
	s5 =	sld [smem:$0x3FAC]  }
0x2b: {  	s6 =	sld [smem:$0x3FAD]  }
0x2c: {  	s7 =	sld [smem:$0x3FAE]  }
0x2d: {  	s3 =	simm.s32 $0x108;
	s8 =	sld [smem:$0x3FAF]  }
0x2e: {  	s3 =	simm.s32 @!p0 $0x1082;
	s9 =	sld [smem:$0x3FB0]  }
0x2f: {  	lr =	sadd.s32 s0, s3;
	s0 =	sld [smem:$0x3FA7]  }
0x30: {  	s3 =	sld [smem:$0x3FAA]  }
0x31: {  	[smem:$0x3FB3] =	sst s10  }
0x32: {  	s10 =	sld [smem:$0x3FB1];
	_ =	sdelay $0x3  }
0x33: {  	p0 =	seq.s32 s10, $0x1;
	s10 =	sld [smem:$0x3FB3];
	_ =	sdelay $0x3  }
0x34: {  	[smem:$0x3FB3] =	sst s10  }
0x35: {  	s10 =	sld [smem:$0x3FB2];
	_ =	sdelay $0x3  }
0x36: {  	p1 =	seq.s32 s10, $0x1;
	s10 =	sld [smem:$0x3FB3];
	_ =	sdelay $0x3  }
0x37: {  	[smem:$0x3FB3] =	sst s10  }
0x38: {  	s10 =	sld [smem:$0x3FB4]  }
0x39: {  	_ = 	snop;
	(pc) =	sbr.ind lr, $3  }
0x3a: {  	_ = 	snop  }
0x3b: {  	_ = 	snop  }
0x3c: {  	p2 =	seq.s32 s10, $0x1;
	s10 =	sld [smem:$0x3FB3]  }
0x3d: {  	_ =	shalt  }
0x3e: {  	_ =	shalt  }
0x3f: {  	_ =	shalt  }
0x40: {  	_ =	shalt  }
0x41: {  	_ =	shalt  }
0x42: {  	_ =	shalt  }
0x43: {  	_ =	shalt  }
0x44: {  	_ =	shalt  }
0x45: {  	_ =	shalt  }
0x46: {  	_ =	shalt  }
0x47: {  	_ =	shalt  }
0x48: {  	_ =	shalt  }
0x49: {  	_ =	shalt  }
0x4a: {  	_ =	shalt  }
0x4b: {  	_ =	shalt  }
0x4c: {  	_ =	shalt  }
0x4d: {  	_ =	shalt  }
0x4e: {  	_ =	shalt  }
0x4f: {  	_ =	shalt  }
0x50: {  	_ =	shalt  }
0x51: {  	_ =	shalt  }
0x52: {  	_ =	shalt  }
0x53: {  	_ =	shalt  }
0x54: {  	_ =	shalt  }
0x55: {  	_ =	shalt  }
0x56: {  	_ =	shalt  }
0x57: {  	_ =	shalt  }
0x58: {  	_ =	shalt  }
0x59: {  	_ =	shalt  }
0x5a: {  	_ =	shalt  }
0x5b: {  	_ =	shalt  }
0x5c: {  	_ =	shalt  }
0x5d: {  	_ =	shalt  }
0x5e: {  	_ =	shalt  }
0x5f: {  	_ =	shalt  }
0x60: {  	_ =	shalt  }
0x61: {  	_ =	shalt  }
0x62: {  	_ =	shalt  }
0x63: {  	_ =	shalt  }
0x64: {  	_ =	shalt  }
0x65: {  	_ =	shalt  }
0x66: {  	_ =	shalt  }
0x67: {  	_ =	shalt  }
0x68: {  	_ =	shalt  }
0x69: {  	_ =	shalt  }
0x6a: {  	_ =	shalt  }
0x6b: {  	_ =	shalt  }
0x6c: {  	_ =	shalt  }
0x6d: {  	_ =	shalt  }
0x6e: {  	_ =	shalt  }
0x6f: {  	_ =	shalt  }
0x70: {  	_ =	shalt  }
0x71: {  	_ =	shalt  }
0x72: {  	_ =	shalt  }
0x73: {  	_ =	shalt  }
0x74: {  	_ =	shalt  }
0x75: {  	_ =	shalt  }
0x76: {  	_ =	shalt  }
0x77: {  	_ =	shalt  }
0x78: {  	_ =	shalt  }
0x79: {  	_ =	shalt  }
0x7a: {  	_ =	shalt  }
0x7b: {  	_ =	shalt  }
0x7c: {  	_ =	shalt  }
0x7d: {  	_ =	shalt  }
0x7e: {  	_ =	shalt  }
0x7f: {  	_ =	shalt  }
0x80: {  	_ =	shalt  }
0x81: {  	_ =	shalt  }
0x82: {  	_ =	shalt  }
0x83: {  	_ =	shalt  }
0x84: {  	_ =	shalt  }
0x85: {  	_ =	shalt  }
0x86: {  	_ =	shalt  }
0x87: {  	_ =	shalt  }
.Lfunc_end0:
.L_simem_size_0:
called_computation_lowered:
.L_overlay_start_0:
0x88: {  	s2 =	sld [smem:$0x3FD9]  }
0x89: {  	s3 =	sld [smem:$0x3FFE];
	_ =	sdelay $0x1  }
0x8a: {  	s1 =	srdreg.scid  }
0x8b: {  	s0 =	sand.u32 $0x1, s1  }
0x8c: {  	s17 =	sshll.u32 s0, $0xA;
	s2 =	sadd.s32 s3, s2  }
0x8d: {  	s2 =	sadd.s32 s2, s17  }
0x8e: {  	[smem:$0x3FBF] =	sst s2  }
0x8f: {  	_ = 	snop  }
0x90: {  	s2 =	sld [smem:$0x3FC8]  }
0x91: {  	s18 =	sld [smem:$0x3FC6]  }
0x92: {  	s4 =	sld [smem:$0x3FD0];
	(tm) =	ssettm $0x1  }
0x93: {  	s5 =	sld [smem:$0x3FFB];
	_ =	sdelay $0x3  }
0x94: {  	_ =	strace s5  }
0x95: {  	s5 =	sld [smem:$0x3FFC];
	_ =	sdelay $0x3  }
0x96: {  	_ =	strace s5  }
0x97: {  	s5 =	sld [smem:$0x3FFD];
	_ =	sdelay $0x3  }
0x98: {  	_ =	strace s5  }
0x99: {  	_ =	strace $0x8FFFFFFF  }
0x9a: {  	s19 =	sld [smem:$0x3FDB];
	_ =	sdelay $0x1  }
0x9b: {  	s6 =	simm.s32 $_scs_section_size  }
0x9c: {  	s7 =	simm.s32 $_size__tile_overlayer_lowered;
	s8 =	simm.s32 $_tile_overlayer_lowered  }
0x9d: {  	s22 =	simm.s32 $0x1BFF;
	s21 =	sshll.u32 s8, $0x1;
	s5 =	sadd.s32 s6, s19  }
0x9e: {  	s9 =	simm.s32 $0x0;
	s20 =	sshll.u32 s7, $0x1;
	s7 =	sadd.s32 s21, s5  }
0x9f: {  	[timem:s9], [sflag:s22] =	dma.local [hbm:s7], s20  }
0xa0: {  	_ =	swait.ge [sflag:s22], s20  }
0xa1: {  	s6 =	ssub.s32 $0x0, s20;
	[sflag:s22] =	ssyncset.done $0x0  }
0xa2: {  	[sflag:s22] =	ssyncadd.s32 s6;
	_ =	sdelay $0x1  }
0xa3: {  	s23 =	simm.s32 $0x1B8B  }
0xa4: {  	_ =	swait.ge [sflag:s23], $0x1  }
0xa5: {  	[sflag:s23] =	ssyncset.done $0x0  }
0xa6: {  	s25 =	simm.s32 $0x1B8E;
	s24 =	sld [smem:$0x3FFE];
	[sflag:s23] =	ssyncadd.s32 $0xFFFFFFFF  }
0xa7: {  	s26 =	simm.s32 $execute0_lowered;
	[smem:$0x3FD2] =	sst s25  }
0xa8: {  	s7 =	sshll.u32 s26, $0x1;
	_ =	strace $0x80000046;
	[dreg:$0x1] =	wrdreg $0xFFFFFFFF  }
0xa9: {  	s28 =	simm.s32 $_size_execute0_lowered;
	s5 =	sadd.s32 s5, s7;
	[dreg:$0x0] =	wrdreg $0x0  }
0xaa: {  	s7 =	sshll.u32 s28, $0x1;
	[dreg:$0x2] =	wrdreg s5  }
0xab: {  	[dreg:$0x3] =	wrdreg s7  }
0xac: {  	[dreg:$0x4] =	wrdreg $0xC0  }
0xad: {  	_ =	task [dreg:s9], $0x5FFFF  }
0xae: {  	[dreg:$0x1] =	wrdreg $0xFFFFFFFF  }
0xaf: {  	[dreg:$0x0] =	wrdreg $0x60  }
0xb0: {  	[dreg:$0x2] =	wrdreg s2  }
0xb1: {  	[dreg:$0x3] =	wrdreg s4  }
0xb2: {  	[dreg:$0x4] =	wrdreg s18  }
0xb3: {  	[dreg:$0x5] =	wrdreg s24  }
0xb4: {  	[dreg:$0x6] =	wrdreg $0x7B000  }
0xb5: {  	[dreg:$0x7] =	wrdreg $0x9  }
0xb6: {  	_ =	task.clear_ibuf [dreg:s9], $0x8FFFF;
	_ =	strace $0x90000046  }
0xb7: {  	s29 =	simm.s32 $0x9;
	_ =	strace $0x80000048  }
0xb8: {  	_ =	swait.ge [sflag:s29], $0x1  }
0xb9: {  	[sflag:s29] =	ssyncadd.s32 $0xFFFFFFFF  }
0xba: {  	_ =	strace $0x90000048  }
0xbb: {  	_ =	sfence  }
0xbc: {  	s30 =	sld [smem:$0x0];
	_ =	sdelay $0x2  }
0xbd: {  	s31 =	sshll.u32 s1, $0xD;
	s1 =	sshrl.u32 s1, $0x2  }
0xbe: {  	s3 =	sand.u32 $0x4000, s31;
	s1 =	sadd.s32 s1, s30  }
0xbf: {  	s0 =	sor.u32 s3, s0;
	s1 =	sshll.u32 s1, $0x11  }
0xc0: {  	s0 =	sor.u32 s1, s0  }
0xc1: {  	s0 =	sadd.s32 $0x8F2B, s0  }
0xc2: {  	[sflag:s0] =	ssyncadd.remote.s32 $0x1  }
0xc3: {  	_ =	sfence.sel $0xFFFF  }
0xc4: {  	[dreg:$0x0] =	wrdreg $0xFFFFFFFF;
	(pc) =	sbr.abs _section_cstart, $3  }
0xc5: {  	[dreg:$0x1] =	wrdreg $0xFFFFFFFF  }
0xc6: {  	_ =	task.clear_ibuf [dreg:s9], $0x2FFFF;
	_ =	strace $0x9FFFFFFF  }
0xc7: {  	(tm) =	ssettm $0x7FFFFFFF  }
tec
execute0_lowered:
.L_overlay_start_1:
0x0: {  	(tag) =	ssettag $0x1  }
0x1: {  	s6 =	rddreg [dreg:$0x0]  }
0x2: {  	s8 =	rddreg [dreg:$0x1]  }
0x3: {  	s5 =	rddreg [dreg:$0x2]  }
0x4: {  	s0 =	rddreg [dreg:$0x3]  }
0x5: {  	s1 =	rddreg [dreg:$0x4]  }
0x6: {  	s2 =	srdreg.scid;
	s21 =	stileid.u32  }
0x7: {  	s3 =	simm.s32 $0x0;
	s9 =	sand.u32 $0x1, s2;
	s7 =	smul.u32 $0x14000, s21  }
0x8: {  	[smem:$0x7FF] =	sst s3;
	s2 =	smul.u32 $0x140000, s9  }
0x9: {  	s29 =	sadd.s32 $0x3600, s0;
	s4 =	sshll.u32 s9, $0x4;
	s22 =	smul.u32 $0x27100, s9  }
0xa: {  	_ =	strace $0x80000047;
	s28 =	smul.u32 $0x3E800, s9;
	s10 =	sor.u32 s21, s4  }
0xb: {  	s16 =	ssub.s32 $0x2, s9;
	[dreg:$0x6] =	wrdreg s29;
	s11 =	smul.u32 $0x2710, s10  }
0xc: {  	s4 =	sadd.s32 $0x1600, s0;
	s12 =	smul.u32 $0x27100, s10;
	s2 =	sadd.s32 s7, s2  }
0xd: {  	s14 =	sshrl.u32 s16, $0x1;
	s13 =	smul.u32 $0x138800, s10;
	s2 =	sshrl.u32 s2, $0x3  }
0xe: {  	s19 =	smul.u32 $0x3E80, s10;
	s0 =	sadd.s32 s2, s0;
	s2 =	ssub.s32 s16, s14  }
0xf: {  	s14 =	smul.u32 $0x3E8, s10;
	s17 =	sadd.s32 s6, s12;
	s18 =	sshrl.u32 s11, $0x3  }
0x10: {  	s20 =	sshrl.u32 s13, $0x3;
	s10 =	smul.u32 $0x1F400, s10;
	s11 =	sadd.s32 s5, s19  }
0x11: {  	s16 =	smul.u32 $0x2710, s21;
	[dreg:$0x7] =	wrdreg s17;
	s12 =	sadd.s32 s8, s18  }
0x12: {  	s13 =	sadd.s32 s6, s20;
	[dreg:$0x8] =	wrdreg s11;
	s17 =	smul.u32 $0x271000, s9  }
0x13: {  	s18 =	smul.u32 $0x27100, s21;
	s23 =	sshrl.u32 s14, $0x3;
	s10 =	sshrl.u32 s10, $0x3  }
0x14: {  	s16 =	sadd.s32 s16, s22;
	s19 =	sadd.s32 $0x7D28, s14;
	s20 =	sadd.s32 $0x8048, s14  }
0x15: {  	s22 =	smul.u32 $0x3E80, s21;
	s14 =	sadd.s32 $0x8098, s14;
	s11 =	sadd.s32 s4, s23  }
0x16: {  	s10 =	sadd.s32 s5, s10;
	s6 =	sadd.s32 s17, s6;
	s24 =	sadd.s32 $0x4E390, s16  }
0x17: {  	s26 =	sadd.s32 $0x4E340, s16;
	s23 =	sshrl.u32 s19, $0x3;
	s5 =	sadd.s32 s28, s5  }
0x18: {  	s28 =	sshrl.u32 s14, $0x3;
	s19 =	sadd.s32 $0xA00, s13;
	s25 =	sshrl.u32 s24, $0x3  }
0x19: {  	s24 =	sshrl.u32 s20, $0x3;
	[dreg:$0x14] =	wrdreg s19;
	s20 =	sadd.s32 $0x26700, s13  }
0x1a: {  	s14 =	sadd.s32 s22, s5;
	s22 =	sadd.s32 $0x9C40, s12;
	[dreg:$0x15] =	wrdreg s20  }
0x1b: {  	s16 =	sadd.s32 $0x4E2F0, s16;
	s19 =	sadd.s32 $0x3C00, s0;
	[dreg:$0x17] =	wrdreg s22  }
0x1c: {  	s7 =	sadd.s32 s18, s6;
	s0 =	sadd.s32 $0x53C00, s0;
	[smem:$0x7F4] =	sst s19  }
0x1d: {  	s16 =	sshrl.u32 s16, $0x3;
	s6 =	sadd.s32 s25, s8;
	[smem:$0x7F5] =	sst s0  }
0x1e: {  	s15 =	smul.u32 $0x50000, s21;
	s18 =	sadd.s32 s16, s8;
	[dreg:$0x9] =	wrdreg s6  }
0x1f: {  	s25 =	smul.u32 $0x3E8, s21;
	s21 =	sadd.s32 $0x26C00, s13;
	[dreg:$0xb] =	wrdreg s18  }
0x20: {  	s20 =	smax.u32 s2, $0x1;
	[dreg:$0x16] =	wrdreg s21  }
0x21: {  	s6 =	sshrl.u32 s26, $0x3;
	s26 =	sadd.s32 s4, s24;
	[smem:$0x7F6] =	sst s20  }
0x22: {  	s18 =	sadd.s32 $0x500, s13;
	[dreg:$0xd] =	wrdreg s26  }
0x23: {  	s24 =	sadd.s32 $0x9C54, s12;
	[dreg:$0x12] =	wrdreg s18  }
0x24: {  	s13 =	sadd.s32 $0x3C00, s10;
	[dreg:$0x19] =	wrdreg s24  }
0x25: {  	s6 =	sadd.s32 s6, s8;
	[smem:$0x7EF] =	sst s13  }
0x26: {  	s30 =	simm.s32 $0x7800;
	s8 =	sadd.s32 s4, s23;
	[dreg:$0xa] =	wrdreg s6  }
0x27: {  	s31 =	simm.s32 $0x2800;
	s23 =	sadd.s32 $0x9C4A, s12;
	[dreg:$0xc] =	wrdreg s8  }
0x28: {  	s15 =	sshrl.u32 s15, $0x2;
	s26 =	sadd.s32 $0xA118, s12;
	[dreg:$0x18] =	wrdreg s23  }
0x29: {  	s9 =	smul.u32 $0x3E80, s9;
	s18 =	sadd.s32 $0x1018, s11;
	[dreg:$0x1b] =	wrdreg s26  }
0x2a: {  	s8 =	sadd.s32 s4, s28;
	s28 =	sadd.s32 $0x280, s10;
	[smem:$0x7F3] =	sst s18  }
0x2b: {  	[dreg:$0xe] =	wrdreg s8;
	s8 =	sadd.s32 s25, s9;
	s25 =	sadd.s32 $0xA10E, s12  }
0x2c: {  	[dreg:$0x1c] =	wrdreg s28;
	s12 =	sadd.s32 $0x3980, s10;
	s9 =	sadd.s32 $0x7DC8, s8  }
0x2d: {  	s16 =	sadd.s32 $0x7DA0, s8;
	s5 =	sadd.s32 $0x7D78, s8;
	[dreg:$0x1a] =	wrdreg s25  }
0x2e: {  	[smem:$0x7EE] =	sst s12;
	s6 =	sshrl.u32 s9, $0x3;
	s9 =	sadd.s32 $0x3700, s10  }
0x2f: {  	s8 =	sshrl.u32 s16, $0x3;
	s16 =	sadd.s32 $0xFAA, s11;
	[dreg:$0x1f] =	wrdreg s9  }
0x30: {  	s0 =	simm.s32 $0x7880;
	s6 =	sadd.s32 s6, s4;
	[smem:$0x7F1] =	sst s16  }
0x31: {  	s5 =	sshrl.u32 s5, $0x3;
	s17 =	sadd.s32 s8, s4;
	[dreg:$0xf] =	wrdreg s6  }
0x32: {  	s2 =	simm.s32 $0x5000;
	s4 =	sadd.s32 s5, s4;
	[dreg:$0x10] =	wrdreg s17  }
0x33: {  	s20 =	simm.s32 $0x3;
	s8 =	sadd.s32 $0x3480, s10;
	[dreg:$0x11] =	wrdreg s4  }
0x34: {  	s13 =	simm.s32 $0x2;
	s6 =	sadd.s32 $0x500, s10;
	[dreg:$0x1e] =	wrdreg s8  }
0x35: {  	s4 =	sadd.s32 s15, s1;
	s15 =	sadd.s32 $0xFA0, s11;
	[dreg:$0x1d] =	wrdreg s6  }
0x36: {  	s18 =	simm.s32 $0x4;
	s17 =	sadd.s32 $0x100E, s11;
	[smem:$0x7F0] =	sst s15  }
0x37: {  	s12 =	simm.s32 $0x7900;
	s5 =	simm.s32 $0x7;
	[smem:$0x7F2] =	sst s17  }
0x38: {  	s9 =	simm.s32 $0x7980;
	s21 =	sadd.s32 $0x2800, s4;
	[dreg:$0x13] =	wrdreg s4  }
0x39: {  	s16 =	simm.s32 $0x7A80;
	s22 =	sadd.s32 $0x5000, s4;
	[smem:$0x7F7] =	sst s21  }
0x3a: {  	s11 =	simm.s32 $0x50;
	s23 =	sadd.s32 $0x7800, s4;
	[smem:$0x7F8] =	sst s22  }
0x3b: {  	s8 =	simm.s32 $0x7A00;
	s24 =	sadd.s32 $0xA000, s4;
	[smem:$0x7F9] =	sst s23  }
0x3c: {  	s10 =	simm.s32 $0x28;
	s25 =	sadd.s32 $0xC800, s4;
	[smem:$0x7FA] =	sst s24  }
0x3d: {  	s26 =	sadd.s32 $0xF000, s4;
	s28 =	sadd.s32 $0x11800, s4;
	[smem:$0x7FB] =	sst s25  }
0x3e: {  	s6 =	simm.s32 $0x1;
	s4 =	simm.s32 $0x6;
	[smem:$0x7FC] =	sst s26  }
0x3f: {  	s17 =	simm.s32 $0x0;
	[smem:$0x7FD] =	sst s28;
	s21 =	simm.s32 $0x5  }
.LBB2_1:
0x40: {  	s15 =	rddreg [dreg:$0x7]  }
0x41: {  	[tilespmem:s3], [sflag:$0x1] =	stream.linear.gather [hbm4b:s15+s3], $0x2800, $0x38;
	[tilespmem:$0x1BB00] =	vst v63  }
0x42: {  	s28 =	rddreg [dreg:$0x17]  }
0x43: {  	[tilespmem:s30], [sflag:$0x1] =	stream.linear.gather [hbm4b:s28+s3], $0x50, $0x38;
	[tilespmem:$0x1BB00] =	vst v63  }
0x44: {  	s19 =	rddreg [dreg:$0x12]  }
0x45: {  	[tilespmem:s31], [sflag:$0x2] =	stream.linear.gather [hbm4b:s19+s3], $0x2800, $0x38;
	[tilespmem:$0x1BB00] =	vst v63  }
0x46: {  	s22 =	rddreg [dreg:$0x18]  }
0x47: {  	[tilespmem:s0], [sflag:$0x2] =	stream.linear.gather [hbm4b:s22+s3], $0x50, $0x38;
	[tilespmem:$0x1BB00] =	vst v63  }
0x48: {  	_ = 	snop  }
0x49: {  	[tilespmem:s2], [sflag:$0x7] =	stream.linear.gather [hbm4b:s29+s3], $0x2800, $0x38;
	[tilespmem:$0x1BB00] =	vst v63  }
0x4a: {  	_ =	swait.ge [sflag:s5], $0x2800  }
0x4b: {  	[sflag:s5] =	ssyncset.done $0x0  }
0x4c: {  	s23 =	rddreg [dreg:$0x13];
	[sflag:s5] =	ssyncadd.s32 $0xFFFFD800  }
0x4d: {  	[spmem:s23] =	stream.linear.scatter [tilespmem:s2], [sflag:$0x7], $0x2800, $0x38;
	[tilespmem:$0x1BB00] =	vst v63  }
0x4e: {  	_ =	swait.ge [sflag:s5], $0x2800  }
0x4f: {  	s24 =	sld [smem:$0x7F7]  }
0x50: {  	[sflag:s5] =	ssyncset.done $0x0  }
0x51: {  	[sflag:s5] =	ssyncadd.s32 $0xFFFFD800  }
0x52: {  	[spmem:s24] =	stream.linear.scatter [tilespmem:s2], [sflag:$0x7], $0x2800, $0x38;
	[tilespmem:$0x1BB00] =	vst v63  }
0x53: {  	_ =	swait.ge [sflag:s5], $0x2800  }
0x54: {  	s25 =	sld [smem:$0x7F8]  }
0x55: {  	[sflag:s5] =	ssyncset.done $0x0  }
0x56: {  	[sflag:s5] =	ssyncadd.s32 $0xFFFFD800  }
0x57: {  	[spmem:s25] =	stream.linear.scatter [tilespmem:s2], [sflag:$0x7], $0x2800, $0x38;
	[tilespmem:$0x1BB00] =	vst v63  }
0x58: {  	_ =	swait.ge [sflag:s5], $0x2800  }
0x59: {  	s26 =	sld [smem:$0x7F9]  }
0x5a: {  	[sflag:s5] =	ssyncset.done $0x0  }
0x5b: {  	[sflag:s5] =	ssyncadd.s32 $0xFFFFD800  }
0x5c: {  	[spmem:s26] =	stream.linear.scatter [tilespmem:s2], [sflag:$0x7], $0x2800, $0x38;
	[tilespmem:$0x1BB00] =	vst v63  }
0x5d: {  	_ =	swait.ge [sflag:s5], $0x2800  }
0x5e: {  	s28 =	sld [smem:$0x7FA]  }
0x5f: {  	[sflag:s5] =	ssyncset.done $0x0  }
0x60: {  	[sflag:s5] =	ssyncadd.s32 $0xFFFFD800  }
0x61: {  	[spmem:s28] =	stream.linear.scatter [tilespmem:s2], [sflag:$0x7], $0x2800, $0x38;
	[tilespmem:$0x1BB00] =	vst v63  }
0x62: {  	_ =	swait.ge [sflag:s5], $0x2800  }
0x63: {  	s19 =	sld [smem:$0x7FB]  }
0x64: {  	[sflag:s5] =	ssyncset.done $0x0  }
0x65: {  	[sflag:s5] =	ssyncadd.s32 $0xFFFFD800  }
0x66: {  	[spmem:s19] =	stream.linear.scatter [tilespmem:s2], [sflag:$0x7], $0x2800, $0x38;
	[tilespmem:$0x1BB00] =	vst v63  }
0x67: {  	_ =	swait.ge [sflag:s5], $0x2800  }
0x68: {  	s22 =	sld [smem:$0x7FC]  }
0x69: {  	[sflag:s5] =	ssyncset.done $0x0  }
0x6a: {  	[sflag:s5] =	ssyncadd.s32 $0xFFFFD800  }
0x6b: {  	[spmem:s22] =	stream.linear.scatter [tilespmem:s2], [sflag:$0x7], $0x2800, $0x38;
	[tilespmem:$0x1BB00] =	vst v63  }
0x6c: {  	_ =	swait.ge [sflag:s5], $0x2800  }
0x6d: {  	s23 =	sld [smem:$0x7FD]  }
0x6e: {  	[sflag:s5] =	ssyncset.done $0x0  }
0x6f: {  	[sflag:s5] =	ssyncadd.s32 $0xFFFFD800  }
0x70: {  	[spmem:s23] =	stream.linear.scatter [tilespmem:s2], [sflag:$0x7], $0x2800, $0x38;
	[tilespmem:$0x1BB00] =	vst v63  }
0x71: {  	_ =	swait.ge [sflag:s5], $0x2800  }
0x72: {  	[sflag:s5] =	ssyncset.done $0x0  }
0x73: {  	[sflag:s5] =	ssyncadd.s32 $0xFFFFD800  }
0x74: {  	[bflag:$0x0] =	sbarrier.arrive $0xFFFF  }
0x75: {  	_ =	swait.ge [sflag:s6], $0x2800  }
0x76: {  	[sflag:s6] =	ssyncset.done $0x0  }
0x77: {  	[sflag:s6] =	ssyncadd.s32 $0xFFFFD800  }
0x78: {  	_ =	swait.ge [sflag:s6], $0x50  }
0x79: {  	[sflag:s6] =	ssyncset.done $0x0  }
0x7a: {  	[sflag:s6] =	ssyncadd.s32 $0xFFFFFFB0  }
0x7b: {  	[spmem:s1] =	stream.indirect.scatter.add.f32 [tilespmem:s3], [sflag:$0x4], $0x80, s30, s11, $0xb8;
	[tilespmem:$0x1BB00] =	vst v63  }
0x7c: {  	s24 =	rddreg [dreg:$0x14]  }
0x7d: {  	[tilespmem:s2], [sflag:$0x3] =	stream.linear.gather [hbm4b:s24+s3], $0x2800, $0x38;
	[tilespmem:$0x1BB00] =	vst v63  }
0x7e: {  	s25 =	rddreg [dreg:$0x19]  }
0x7f: {  	[tilespmem:s12], [sflag:$0x3] =	stream.linear.gather [hbm4b:s25+s3], $0x50, $0x38;
	[tilespmem:$0x1BB00] =	vst v63  }
0x80: {  	_ =	swait.ge [sflag:s13], $0x2800  }
0x81: {  	[sflag:s13] =	ssyncset.done $0x0  }
0x82: {  	[sflag:s13] =	ssyncadd.s32 $0xFFFFD800  }
0x83: {  	_ =	swait.ge [sflag:s13], $0x50  }
0x84: {  	[sflag:s13] =	ssyncset.done $0x0  }
0x85: {  	[sflag:s13] =	ssyncadd.s32 $0xFFFFFFB0  }
0x86: {  	[spmem:s1] =	stream.indirect.scatter.add.f32 [tilespmem:s31], [sflag:$0x5], $0x80, s0, s11, $0xb8;
	[tilespmem:$0x1BB00] =	vst v63  }
0x87: {  	_ =	swait.ge [sflag:s18], $0x2800  }
0x88: {  	s26 =	sadd.s32 $0x0, s7;
	[sflag:s18] =	ssyncset.done $0x0  }
0x89: {  	s22 =	sadd.s32 $0xF00, s26;
	[sflag:s18] =	ssyncadd.s32 $0xFFFFD800  }
0x8a: {  	[tilespmem:s3], [sflag:$0x1] =	stream.linear.gather [hbm4b:s22+s3], $0x2800, $0x38;
	[tilespmem:$0x1BB00] =	vst v63  }
0x8b: {  	s24 =	rddreg [dreg:$0xb]  }
0x8c: {  	[tilespmem:s30], [sflag:$0x1] =	stream.linear.gather [hbm4b:s24+s3], $0x50, $0x38;
	[tilespmem:$0x1BB00] =	vst v63  }
0x8d: {  	_ =	swait.ge [sflag:s20], $0x2800  }
0x8e: {  	[sflag:s20] =	ssyncset.done $0x0  }
0x8f: {  	[sflag:s20] =	ssyncadd.s32 $0xFFFFD800  }
0x90: {  	_ =	swait.ge [sflag:s20], $0x50  }
0x91: {  	[sflag:s20] =	ssyncset.done $0x0  }
0x92: {  	[sflag:s20] =	ssyncadd.s32 $0xFFFFFFB0  }
0x93: {  	[spmem:s1] =	stream.indirect.scatter.add.f32 [tilespmem:s2], [sflag:$0x6], $0x80, s12, s11, $0xb8;
	[tilespmem:$0x1BB00] =	vst v63  }
0x94: {  	_ =	swait.ge [sflag:s21], $0x2800  }
0x95: {  	[sflag:s21] =	ssyncset.done $0x0  }
0x96: {  	s28 =	sadd.s32 $0x1400, s26;
	[sflag:s21] =	ssyncadd.s32 $0xFFFFD800  }
0x97: {  	[tilespmem:s31], [sflag:$0x2] =	stream.linear.gather [hbm4b:s28+s3], $0x2800, $0x38;
	[tilespmem:$0x1BB00] =	vst v63  }
0x98: {  	s19 =	rddreg [dreg:$0xa]  }
0x99: {  	[tilespmem:s0], [sflag:$0x2] =	stream.linear.gather [hbm4b:s19+s3], $0x50, $0x38;
	[tilespmem:$0x1BB00] =	vst v63  }
0x9a: {  	_ =	swait.ge [sflag:s6], $0x2800  }
0x9b: {  	[sflag:s6] =	ssyncset.done $0x0  }
0x9c: {  	[sflag:s6] =	ssyncadd.s32 $0xFFFFD800  }
0x9d: {  	_ =	swait.ge [sflag:s6], $0x50  }
0x9e: {  	[sflag:s6] =	ssyncset.done $0x0  }
0x9f: {  	[sflag:s6] =	ssyncadd.s32 $0xFFFFFFB0  }
0xa0: {  	[spmem:s1] =	stream.indirect.scatter.add.f32 [tilespmem:s3], [sflag:$0x4], $0x80, s30, s11, $0xb8;
	[tilespmem:$0x1BB00] =	vst v63  }
0xa1: {  	_ =	swait.ge [sflag:s4], $0x2800  }
0xa2: {  	s15 =	sadd.s32 $0x1900, s26;
	[sflag:s4] =	ssyncset.done $0x0  }
0xa3: {  	s24 =	sadd.s32 $0x1E, s24;
	s25 =	rddreg [dreg:$0x9];
	[sflag:s4] =	ssyncadd.s32 $0xFFFFD800  }
0xa4: {  	[tilespmem:s2], [sflag:$0x3] =	stream.linear.gather [hbm4b:s15+s3], $0x2800, $0x38;
	[tilespmem:$0x1BB00] =	vst v63  }
0xa5: {  	s23 =	sadd.s32 $0x1E, s19;
	s22 =	sadd.s32 $0x1E, s25;
	s15 =	simm.s32 $0xF00  }
.LBB2_2:
0xa6: {  	[tilespmem:s12], [sflag:$0x3] =	stream.linear.gather [hbm4b:s25+s3], $0x50, $0x38;
	[tilespmem:$0x1BB00] =	vst v63  }
0xa7: {  	s26 =	smov.u32 s15;
	s25 =	smov.u32 s22  }
0xa8: {  	p0 =	sne.s32 s15, $0x24900;
	s15 =	sadd.s32 $0xF00, s15;
	_ =	swait.ge [sflag:s13], $0x2800  }
0xa9: {  	[sflag:s13] =	ssyncset.done $0x0  }
0xaa: {  	[sflag:s13] =	ssyncadd.s32 $0xFFFFD800  }
0xab: {  	_ =	swait.ge [sflag:s13], $0x50  }
0xac: {  	[sflag:s13] =	ssyncset.done $0x0  }
0xad: {  	[sflag:s13] =	ssyncadd.s32 $0xFFFFFFB0  }
0xae: {  	[spmem:s1] =	stream.indirect.scatter.add.f32 [tilespmem:s31], [sflag:$0x5], $0x80, s0, s11, $0xb8;
	[tilespmem:$0x1BB00] =	vst v63  }
0xaf: {  	_ =	swait.ge [sflag:s18], $0x2800  }
0xb0: {  	s26 =	sadd.s32 s26, s7;
	[sflag:s18] =	ssyncset.done $0x0  }
0xb1: {  	s28 =	sadd.s32 $0xF00, s26;
	[sflag:s18] =	ssyncadd.s32 $0xFFFFD800  }
0xb2: {  	[tilespmem:s3], [sflag:$0x1] =	stream.linear.gather [hbm4b:s28+s3], $0x2800, $0x38;
	[tilespmem:$0x1BB00] =	vst v63  }
0xb3: {  	_ = 	snop  }
0xb4: {  	[tilespmem:s30], [sflag:$0x1] =	stream.linear.gather [hbm4b:s24+s3], $0x50, $0x38;
	[tilespmem:$0x1BB00] =	vst v63  }
0xb5: {  	_ =	swait.ge [sflag:s20], $0x2800  }
0xb6: {  	[sflag:s20] =	ssyncset.done $0x0  }
0xb7: {  	[sflag:s20] =	ssyncadd.s32 $0xFFFFD800  }
0xb8: {  	_ =	swait.ge [sflag:s20], $0x50  }
0xb9: {  	[sflag:s20] =	ssyncset.done $0x0  }
0xba: {  	[sflag:s20] =	ssyncadd.s32 $0xFFFFFFB0  }
0xbb: {  	[spmem:s1] =	stream.indirect.scatter.add.f32 [tilespmem:s2], [sflag:$0x6], $0x80, s12, s11, $0xb8;
	[tilespmem:$0x1BB00] =	vst v63  }
0xbc: {  	_ =	swait.ge [sflag:s21], $0x2800  }
0xbd: {  	[sflag:s21] =	ssyncset.done $0x0  }
0xbe: {  	s28 =	sadd.s32 $0x1400, s26;
	[sflag:s21] =	ssyncadd.s32 $0xFFFFD800  }
0xbf: {  	[tilespmem:s31], [sflag:$0x2] =	stream.linear.gather [hbm4b:s28+s3], $0x2800, $0x38;
	[tilespmem:$0x1BB00] =	vst v63  }
0xc0: {  	_ = 	snop  }
0xc1: {  	[tilespmem:s0], [sflag:$0x2] =	stream.linear.gather [hbm4b:s23+s3], $0x50, $0x38;
	[tilespmem:$0x1BB00] =	vst v63  }
0xc2: {  	_ =	swait.ge [sflag:s6], $0x2800  }
0xc3: {  	[sflag:s6] =	ssyncset.done $0x0  }
0xc4: {  	[sflag:s6] =	ssyncadd.s32 $0xFFFFD800  }
0xc5: {  	_ =	swait.ge [sflag:s6], $0x50  }
0xc6: {  	[sflag:s6] =	ssyncset.done $0x0  }
0xc7: {  	[sflag:s6] =	ssyncadd.s32 $0xFFFFFFB0  }
0xc8: {  	[spmem:s1] =	stream.indirect.scatter.add.f32 [tilespmem:s3], [sflag:$0x4], $0x80, s30, s11, $0xb8;
	[tilespmem:$0x1BB00] =	vst v63  }
.Ltmp0:
0xc9: {  	_ =	swait.ge [sflag:s4], $0x2800;
	(pc) =	sbr.rel @p0 .LBB2_2-.Ltmp0, $4  }
0xca: {  	[sflag:s4] =	ssyncset.done $0x0  }
0xcb: {  	s26 =	sadd.s32 $0x1900, s26;
	[sflag:s4] =	ssyncadd.s32 $0xFFFFD800  }
0xcc: {  	[tilespmem:s2], [sflag:$0x3] =	stream.linear.gather [hbm4b:s26+s3], $0x2800, $0x38;
	[tilespmem:$0x1BB00] =	vst v63  }
0xcd: {  	s22 =	sadd.s32 $0x1E, s22;
	s24 =	sadd.s32 $0x1E, s24;
	s23 =	sadd.s32 $0x1E, s23  }
0xce: {  	[tilespmem:s12], [sflag:$0x3] =	stream.linear.gather [hbm4b:s25+s3], $0x50, $0x38;
	[tilespmem:$0x1BB00] =	vst v63  }
0xcf: {  	_ =	swait.ge [sflag:s13], $0x2800  }
0xd0: {  	[sflag:s13] =	ssyncset.done $0x0  }
0xd1: {  	[sflag:s13] =	ssyncadd.s32 $0xFFFFD800  }
0xd2: {  	_ =	swait.ge [sflag:s13], $0x50  }
0xd3: {  	[sflag:s13] =	ssyncset.done $0x0  }
0xd4: {  	[sflag:s13] =	ssyncadd.s32 $0xFFFFFFB0  }
0xd5: {  	[spmem:s1] =	stream.indirect.scatter.add.f32 [tilespmem:s31], [sflag:$0x5], $0x80, s0, s11, $0xb8;
	[tilespmem:$0x1BB00] =	vst v63  }
0xd6: {  	_ =	swait.ge [sflag:s18], $0x2800  }
0xd7: {  	[sflag:s18] =	ssyncset.done $0x0  }
0xd8: {  	s23 =	simm.s32 $0x0;
	s15 =	rddreg [dreg:$0x15];
	[sflag:s18] =	ssyncadd.s32 $0xFFFFD800  }
0xd9: {  	[tilespmem:s23], [sflag:$0x1] =	stream.linear.gather [hbm4b:s15+s23], $0x2800, $0x38;
	[tilespmem:$0x1BB00] =	vst v63  }
0xda: {  	s24 =	rddreg [dreg:$0x1a]  }
0xdb: {  	[tilespmem:s30], [sflag:$0x1] =	stream.linear.gather [hbm4b:s24+s23], $0x50, $0x38;
	[tilespmem:$0x1BB00] =	vst v63  }
0xdc: {  	_ =	swait.ge [sflag:s20], $0x2800  }
0xdd: {  	[sflag:s20] =	ssyncset.done $0x0  }
0xde: {  	[sflag:s20] =	ssyncadd.s32 $0xFFFFD800  }
0xdf: {  	_ =	swait.ge [sflag:s20], $0x50  }
0xe0: {  	[sflag:s20] =	ssyncset.done $0x0  }
0xe1: {  	[sflag:s20] =	ssyncadd.s32 $0xFFFFFFB0  }
0xe2: {  	[spmem:s1] =	stream.indirect.scatter.add.f32 [tilespmem:s2], [sflag:$0x6], $0x80, s12, s11, $0xb8;
	[tilespmem:$0x1BB00] =	vst v63  }
0xe3: {  	_ =	swait.ge [sflag:s21], $0x2800  }
0xe4: {  	[sflag:s21] =	ssyncset.done $0x0  }
0xe5: {  	s25 =	rddreg [dreg:$0x16];
	[sflag:s21] =	ssyncadd.s32 $0xFFFFD800  }
0xe6: {  	[tilespmem:s31], [sflag:$0x2] =	stream.linear.gather [hbm4b:s25+s23], $0x2800, $0x38;
	[tilespmem:$0x1BB00] =	vst v63  }
0xe7: {  	s26 =	rddreg [dreg:$0x1b]  }
0xe8: {  	[tilespmem:s0], [sflag:$0x2] =	stream.linear.gather [hbm4b:s26+s23], $0x50, $0x38;
	[tilespmem:$0x1BB00] =	vst v63  }
0xe9: {  	_ =	swait.ge [sflag:s6], $0x2800  }
0xea: {  	[sflag:s6] =	ssyncset.done $0x0  }
0xeb: {  	[sflag:s6] =	ssyncadd.s32 $0xFFFFD800  }
0xec: {  	_ =	swait.ge [sflag:s6], $0x50  }
0xed: {  	[sflag:s6] =	ssyncset.done $0x0  }
0xee: {  	[sflag:s6] =	ssyncadd.s32 $0xFFFFFFB0  }
0xef: {  	[spmem:s1] =	stream.indirect.scatter.add.f32 [tilespmem:s23], [sflag:$0x4], $0x80, s30, s11, $0xb8;
	[tilespmem:$0x1BB00] =	vst v63  }
0xf0: {  	_ =	swait.ge [sflag:s4], $0x2800  }
0xf1: {  	[sflag:s4] =	ssyncset.done $0x0  }
0xf2: {  	[sflag:s4] =	ssyncadd.s32 $0xFFFFD800  }
0xf3: {  	_ =	swait.ge [sflag:s13], $0x2800  }
0xf4: {  	[sflag:s13] =	ssyncset.done $0x0  }
0xf5: {  	[sflag:s13] =	ssyncadd.s32 $0xFFFFD800  }
0xf6: {  	_ =	swait.ge [sflag:s13], $0x50  }
0xf7: {  	[sflag:s13] =	ssyncset.done $0x0  }
0xf8: {  	[sflag:s13] =	ssyncadd.s32 $0xFFFFFFB0  }
0xf9: {  	[spmem:s1] =	stream.indirect.scatter.add.f32 [tilespmem:s31], [sflag:$0x5], $0x80, s0, s11, $0xb8;
	[tilespmem:$0x1BB00] =	vst v63  }
0xfa: {  	_ =	swait.ge [sflag:s18], $0x2800  }
0xfb: {  	[sflag:s18] =	ssyncset.done $0x0  }
0xfc: {  	[sflag:s18] =	ssyncadd.s32 $0xFFFFD800  }
0xfd: {  	_ =	swait.ge [sflag:s21], $0x2800  }
0xfe: {  	[sflag:s21] =	ssyncset.done $0x0;
	s19 =	rddreg [dreg:$0x8]  }
0xff: {  	s22 =	sld [smem:$0x7F0];
	[sflag:s21] =	ssyncadd.s32 $0xFFFFD800  }
0x100: {  	[tilespmem:s23], [sflag:$0x1] =	stream.linear.gather [hbm4b:s19+s23], $0x1400, $0x38;
	[tilespmem:$0x1BB00] =	vst v63  }
0x101: {  	_ = 	snop  }
0x102: {  	[tilespmem:s9], [sflag:$0x1] =	stream.linear.gather [hbm4b:s22+s23], $0x28, $0x38;
	[tilespmem:$0x1BB00] =	vst v63  }
0x103: {  	s24 =	rddreg [dreg:$0x1c]  }
0x104: {  	[tilespmem:s31], [sflag:$0x2] =	stream.linear.gather [hbm4b:s24+s23], $0x1400, $0x38;
	[tilespmem:$0x1BB00] =	vst v63  }
0x105: {  	s25 =	rddreg [dreg:$0xc]  }
0x106: {  	[tilespmem:s8], [sflag:$0x2] =	stream.linear.gather [hbm4b:s25+s23], $0x28, $0x38;
	[tilespmem:$0x1BB00] =	vst v63  }
0x107: {  	[bflag:$0x0] =	sbarrier.arrive $0xFFFF  }
0x108: {  	s26 =	stileid.u32;
	s24 =	sld [smem:$0x7F4]  }
0x109: {  	s15 =	sshll.u32 s26, $0x6;
	s19 =	rddreg [dreg:$0x13]  }
0x10a: {  	s15 =	sor.u32 $0x1C07, s15;
	s22 =	sshrl.u32 s19, $0x3  }
0x10b: {  	[hbm:s24], [sflag:s15] =	dma.local [spmem:s22], $0x2800  }
0x10c: {  	_ =	swait.ge [sflag:s5], $0x2800  }
0x10d: {  	[sflag:s5] =	ssyncset.done $0x0  }
0x10e: {  	[sflag:s5] =	ssyncadd.s32 $0xFFFFD800  }
0x10f: {  	[tilespmem:s2], [sflag:$0x7] =	stream.linear.gather [hbm4b:s29+s23], $0x2800, $0x38;
	[tilespmem:$0x1BB00] =	vst v63  }
0x110: {  	_ =	swait.ge [sflag:s5], $0x2800  }
0x111: {  	[sflag:s5] =	ssyncset.done $0x0  }
0x112: {  	[sflag:s5] =	ssyncadd.s32 $0xFFFFD800  }
0x113: {  	[spmem:s19] =	stream.linear.scatter [tilespmem:s2], [sflag:$0x7], $0x2800, $0x38;
	[tilespmem:$0x1BB00] =	vst v63  }
0x114: {  	_ =	swait.ge [sflag:s5], $0x2800  }
0x115: {  	s29 =	sld [smem:$0x7F7]  }
0x116: {  	[sflag:s5] =	ssyncset.done $0x0  }
0x117: {  	[sflag:s5] =	ssyncadd.s32 $0xFFFFD800  }
0x118: {  	[spmem:s29] =	stream.linear.scatter [tilespmem:s2], [sflag:$0x7], $0x2800, $0x38;
	[tilespmem:$0x1BB00] =	vst v63  }
0x119: {  	_ =	swait.ge [sflag:s5], $0x2800  }
0x11a: {  	s24 =	sld [smem:$0x7F8]  }
0x11b: {  	[sflag:s5] =	ssyncset.done $0x0  }
0x11c: {  	[sflag:s5] =	ssyncadd.s32 $0xFFFFD800  }
0x11d: {  	[spmem:s24] =	stream.linear.scatter [tilespmem:s2], [sflag:$0x7], $0x2800, $0x38;
	[tilespmem:$0x1BB00] =	vst v63  }
0x11e: {  	_ =	swait.ge [sflag:s5], $0x2800  }
0x11f: {  	s25 =	sld [smem:$0x7F9]  }
0x120: {  	[sflag:s5] =	ssyncset.done $0x0  }
0x121: {  	[sflag:s5] =	ssyncadd.s32 $0xFFFFD800  }
0x122: {  	[spmem:s25] =	stream.linear.scatter [tilespmem:s2], [sflag:$0x7], $0x2800, $0x38;
	[tilespmem:$0x1BB00] =	vst v63  }
0x123: {  	_ =	swait.ge [sflag:s5], $0x2800  }
0x124: {  	s26 =	sld [smem:$0x7FA]  }
0x125: {  	[sflag:s5] =	ssyncset.done $0x0  }
0x126: {  	[sflag:s5] =	ssyncadd.s32 $0xFFFFD800  }
0x127: {  	[spmem:s26] =	stream.linear.scatter [tilespmem:s2], [sflag:$0x7], $0x2800, $0x38;
	[tilespmem:$0x1BB00] =	vst v63  }
0x128: {  	_ =	swait.ge [sflag:s5], $0x2800  }
0x129: {  	s29 =	sld [smem:$0x7FB]  }
0x12a: {  	[sflag:s5] =	ssyncset.done $0x0  }
0x12b: {  	[sflag:s5] =	ssyncadd.s32 $0xFFFFD800  }
0x12c: {  	[spmem:s29] =	stream.linear.scatter [tilespmem:s2], [sflag:$0x7], $0x2800, $0x38;
	[tilespmem:$0x1BB00] =	vst v63  }
0x12d: {  	_ =	swait.ge [sflag:s5], $0x2800  }
0x12e: {  	s24 =	sld [smem:$0x7FC]  }
0x12f: {  	[sflag:s5] =	ssyncset.done $0x0  }
0x130: {  	[sflag:s5] =	ssyncadd.s32 $0xFFFFD800  }
0x131: {  	[spmem:s24] =	stream.linear.scatter [tilespmem:s2], [sflag:$0x7], $0x2800, $0x38;
	[tilespmem:$0x1BB00] =	vst v63  }
0x132: {  	_ =	swait.ge [sflag:s5], $0x2800  }
0x133: {  	s25 =	sld [smem:$0x7FD]  }
0x134: {  	[sflag:s5] =	ssyncset.done $0x0  }
0x135: {  	[sflag:s5] =	ssyncadd.s32 $0xFFFFD800  }
0x136: {  	[spmem:s25] =	stream.linear.scatter [tilespmem:s2], [sflag:$0x7], $0x2800, $0x38;
	[tilespmem:$0x1BB00] =	vst v63  }
0x137: {  	_ =	swait.ge [sflag:s5], $0x2800  }
0x138: {  	[sflag:s5] =	ssyncset.done $0x0  }
0x139: {  	[sflag:s5] =	ssyncadd.s32 $0xFFFFD800  }
0x13a: {  	[bflag:$0x0] =	sbarrier.arrive $0xFFFF  }
0x13b: {  	_ =	swait.ge [sflag:s6], $0x1400  }
0x13c: {  	[sflag:s6] =	ssyncset.done $0x0  }
0x13d: {  	[sflag:s6] =	ssyncadd.s32 $0xFFFFEC00  }
0x13e: {  	_ =	swait.ge [sflag:s6], $0x28  }
0x13f: {  	[sflag:s6] =	ssyncset.done $0x0  }
0x140: {  	s26 =	rddreg [dreg:$0x1d];
	[sflag:s6] =	ssyncadd.s32 $0xFFFFFFD8  }
0x141: {  	[spmem:s1] =	stream.indirect.scatter.add.f32 [tilespmem:s23], [sflag:$0x4], $0x80, s9, s10, $0xb8;
	[tilespmem:$0x1BB00] =	vst v63  }
0x142: {  	s29 =	sld [smem:$0x7F1]  }
0x143: {  	[tilespmem:s2], [sflag:$0x3] =	stream.linear.gather [hbm4b:s26+s23], $0x1400, $0x38;
	[tilespmem:$0x1BB00] =	vst v63  }
0x144: {  	_ = 	snop  }
0x145: {  	[tilespmem:s16], [sflag:$0x3] =	stream.linear.gather [hbm4b:s29+s23], $0x28, $0x38;
	[tilespmem:$0x1BB00] =	vst v63  }
0x146: {  	_ =	swait.ge [sflag:s13], $0x1400  }
0x147: {  	[sflag:s13] =	ssyncset.done $0x0  }
0x148: {  	[sflag:s13] =	ssyncadd.s32 $0xFFFFEC00  }
0x149: {  	_ =	swait.ge [sflag:s13], $0x28  }
0x14a: {  	[sflag:s13] =	ssyncset.done $0x0  }
0x14b: {  	[sflag:s13] =	ssyncadd.s32 $0xFFFFFFD8  }
0x14c: {  	[spmem:s1] =	stream.indirect.scatter.add.f32 [tilespmem:s31], [sflag:$0x5], $0x80, s8, s10, $0xb8;
	[tilespmem:$0x1BB00] =	vst v63  }
0x14d: {  	_ =	swait.ge [sflag:s18], $0x1400  }
0x14e: {  	s23 =	sadd.s32 $0x0, s14;
	[sflag:s18] =	ssyncset.done $0x0  }
0x14f: {  	s19 =	sadd.s32 $0x780, s23;
	[sflag:s18] =	ssyncadd.s32 $0xFFFFEC00  }
0x150: {  	[tilespmem:s3], [sflag:$0x1] =	stream.linear.gather [hbm4b:s19+s3], $0x1400, $0x38;
	[tilespmem:$0x1BB00] =	vst v63  }
0x151: {  	s26 =	rddreg [dreg:$0x11]  }
0x152: {  	[tilespmem:s9], [sflag:$0x1] =	stream.linear.gather [hbm4b:s26+s3], $0x28, $0x38;
	[tilespmem:$0x1BB00] =	vst v63  }
0x153: {  	_ =	swait.ge [sflag:s20], $0x1400  }
0x154: {  	[sflag:s20] =	ssyncset.done $0x0  }
0x155: {  	[sflag:s20] =	ssyncadd.s32 $0xFFFFEC00  }
0x156: {  	_ =	swait.ge [sflag:s20], $0x28  }
0x157: {  	[sflag:s20] =	ssyncset.done $0x0  }
0x158: {  	[sflag:s20] =	ssyncadd.s32 $0xFFFFFFD8  }
0x159: {  	[spmem:s1] =	stream.indirect.scatter.add.f32 [tilespmem:s2], [sflag:$0x6], $0x80, s16, s10, $0xb8;
	[tilespmem:$0x1BB00] =	vst v63  }
0x15a: {  	_ =	swait.ge [sflag:s21], $0x1400  }
0x15b: {  	[sflag:s21] =	ssyncset.done $0x0  }
0x15c: {  	s25 =	sadd.s32 $0xA00, s23;
	[sflag:s21] =	ssyncadd.s32 $0xFFFFEC00  }
0x15d: {  	[tilespmem:s31], [sflag:$0x2] =	stream.linear.gather [hbm4b:s25+s3], $0x1400, $0x38;
	[tilespmem:$0x1BB00] =	vst v63  }
0x15e: {  	s29 =	rddreg [dreg:$0x10]  }
0x15f: {  	[tilespmem:s8], [sflag:$0x2] =	stream.linear.gather [hbm4b:s29+s3], $0x28, $0x38;
	[tilespmem:$0x1BB00] =	vst v63  }
0x160: {  	_ =	swait.ge [sflag:s6], $0x1400  }
0x161: {  	[sflag:s6] =	ssyncset.done $0x0  }
0x162: {  	[sflag:s6] =	ssyncadd.s32 $0xFFFFEC00  }
0x163: {  	_ =	swait.ge [sflag:s6], $0x28  }
0x164: {  	[sflag:s6] =	ssyncset.done $0x0  }
0x165: {  	[sflag:s6] =	ssyncadd.s32 $0xFFFFFFD8  }
0x166: {  	[spmem:s1] =	stream.indirect.scatter.add.f32 [tilespmem:s3], [sflag:$0x4], $0x80, s9, s10, $0xb8;
	[tilespmem:$0x1BB00] =	vst v63  }
0x167: {  	_ =	swait.ge [sflag:s4], $0x1400  }
0x168: {  	s23 =	sadd.s32 $0xC80, s23;
	[sflag:s4] =	ssyncset.done $0x0  }
0x169: {  	s26 =	sadd.s32 $0xF, s26;
	s28 =	rddreg [dreg:$0xf];
	[sflag:s4] =	ssyncadd.s32 $0xFFFFEC00  }
0x16a: {  	[tilespmem:s2], [sflag:$0x3] =	stream.linear.gather [hbm4b:s23+s3], $0x1400, $0x38;
	[tilespmem:$0x1BB00] =	vst v63  }
0x16b: {  	s25 =	sadd.s32 $0xF, s29;
	s24 =	sadd.s32 $0xF, s28;
	s23 =	simm.s32 $0x780  }
.LBB2_4:
0x16c: {  	[tilespmem:s16], [sflag:$0x3] =	stream.linear.gather [hbm4b:s28+s3], $0x28, $0x38;
	[tilespmem:$0x1BB00] =	vst v63  }
0x16d: {  	s29 =	smov.u32 s23;
	s28 =	smov.u32 s24  }
0x16e: {  	p0 =	sne.s32 s23, $0x2580;
	s23 =	sadd.s32 $0x780, s23;
	_ =	swait.ge [sflag:s13], $0x1400  }
0x16f: {  	[sflag:s13] =	ssyncset.done $0x0  }
0x170: {  	[sflag:s13] =	ssyncadd.s32 $0xFFFFEC00  }
0x171: {  	_ =	swait.ge [sflag:s13], $0x28  }
0x172: {  	[sflag:s13] =	ssyncset.done $0x0  }
0x173: {  	[sflag:s13] =	ssyncadd.s32 $0xFFFFFFD8  }
0x174: {  	[spmem:s1] =	stream.indirect.scatter.add.f32 [tilespmem:s31], [sflag:$0x5], $0x80, s8, s10, $0xb8;
	[tilespmem:$0x1BB00] =	vst v63  }
0x175: {  	_ =	swait.ge [sflag:s18], $0x1400  }
0x176: {  	s29 =	sadd.s32 s29, s14;
	[sflag:s18] =	ssyncset.done $0x0  }
0x177: {  	s19 =	sadd.s32 $0x780, s29;
	[sflag:s18] =	ssyncadd.s32 $0xFFFFEC00  }
0x178: {  	[tilespmem:s3], [sflag:$0x1] =	stream.linear.gather [hbm4b:s19+s3], $0x1400, $0x38;
	[tilespmem:$0x1BB00] =	vst v63  }
0x179: {  	_ = 	snop  }
0x17a: {  	[tilespmem:s9], [sflag:$0x1] =	stream.linear.gather [hbm4b:s26+s3], $0x28, $0x38;
	[tilespmem:$0x1BB00] =	vst v63  }
0x17b: {  	_ =	swait.ge [sflag:s20], $0x1400  }
0x17c: {  	[sflag:s20] =	ssyncset.done $0x0  }
0x17d: {  	[sflag:s20] =	ssyncadd.s32 $0xFFFFEC00  }
0x17e: {  	_ =	swait.ge [sflag:s20], $0x28  }
0x17f: {  	[sflag:s20] =	ssyncset.done $0x0  }
0x180: {  	[sflag:s20] =	ssyncadd.s32 $0xFFFFFFD8  }
0x181: {  	[spmem:s1] =	stream.indirect.scatter.add.f32 [tilespmem:s2], [sflag:$0x6], $0x80, s16, s10, $0xb8;
	[tilespmem:$0x1BB00] =	vst v63  }
0x182: {  	_ =	swait.ge [sflag:s21], $0x1400  }
0x183: {  	[sflag:s21] =	ssyncset.done $0x0  }
0x184: {  	s19 =	sadd.s32 $0xA00, s29;
	[sflag:s21] =	ssyncadd.s32 $0xFFFFEC00  }
0x185: {  	[tilespmem:s31], [sflag:$0x2] =	stream.linear.gather [hbm4b:s19+s3], $0x1400, $0x38;
	[tilespmem:$0x1BB00] =	vst v63  }
0x186: {  	_ = 	snop  }
0x187: {  	[tilespmem:s8], [sflag:$0x2] =	stream.linear.gather [hbm4b:s25+s3], $0x28, $0x38;
	[tilespmem:$0x1BB00] =	vst v63  }
0x188: {  	_ =	swait.ge [sflag:s6], $0x1400  }
0x189: {  	[sflag:s6] =	ssyncset.done $0x0  }
0x18a: {  	[sflag:s6] =	ssyncadd.s32 $0xFFFFEC00  }
0x18b: {  	_ =	swait.ge [sflag:s6], $0x28  }
0x18c: {  	[sflag:s6] =	ssyncset.done $0x0  }
0x18d: {  	[sflag:s6] =	ssyncadd.s32 $0xFFFFFFD8  }
0x18e: {  	[spmem:s1] =	stream.indirect.scatter.add.f32 [tilespmem:s3], [sflag:$0x4], $0x80, s9, s10, $0xb8;
	[tilespmem:$0x1BB00] =	vst v63  }
.Ltmp1:
0x18f: {  	_ =	swait.ge [sflag:s4], $0x1400;
	(pc) =	sbr.rel @p0 .LBB2_4-.Ltmp1, $4  }
0x190: {  	[sflag:s4] =	ssyncset.done $0x0  }
0x191: {  	s19 =	sadd.s32 $0xC80, s29;
	[sflag:s4] =	ssyncadd.s32 $0xFFFFEC00  }
0x192: {  	[tilespmem:s2], [sflag:$0x3] =	stream.linear.gather [hbm4b:s19+s3], $0x1400, $0x38;
	[tilespmem:$0x1BB00] =	vst v63  }
0x193: {  	s24 =	sadd.s32 $0xF, s24;
	s26 =	sadd.s32 $0xF, s26;
	s25 =	sadd.s32 $0xF, s25  }
0x194: {  	[tilespmem:s16], [sflag:$0x3] =	stream.linear.gather [hbm4b:s28+s3], $0x28, $0x38;
	[tilespmem:$0x1BB00] =	vst v63  }
0x195: {  	_ =	swait.ge [sflag:s13], $0x1400  }
0x196: {  	[sflag:s13] =	ssyncset.done $0x0  }
0x197: {  	[sflag:s13] =	ssyncadd.s32 $0xFFFFEC00  }
0x198: {  	_ =	swait.ge [sflag:s13], $0x28  }
0x199: {  	[sflag:s13] =	ssyncset.done $0x0  }
0x19a: {  	[sflag:s13] =	ssyncadd.s32 $0xFFFFFFD8  }
0x19b: {  	[spmem:s1] =	stream.indirect.scatter.add.f32 [tilespmem:s31], [sflag:$0x5], $0x80, s8, s10, $0xb8;
	[tilespmem:$0x1BB00] =	vst v63  }
0x19c: {  	_ =	swait.ge [sflag:s18], $0x1400  }
0x19d: {  	[sflag:s18] =	ssyncset.done $0x0  }
0x19e: {  	s19 =	rddreg [dreg:$0x1e];
	[sflag:s18] =	ssyncadd.s32 $0xFFFFEC00  }
0x19f: {  	[tilespmem:s3], [sflag:$0x1] =	stream.linear.gather [hbm4b:s19+s3], $0x1400, $0x38;
	[tilespmem:$0x1BB00] =	vst v63  }
0x1a0: {  	s24 =	rddreg [dreg:$0xd]  }
0x1a1: {  	[tilespmem:s9], [sflag:$0x1] =	stream.linear.gather [hbm4b:s24+s3], $0x28, $0x38;
	[tilespmem:$0x1BB00] =	vst v63  }
0x1a2: {  	_ =	swait.ge [sflag:s20], $0x1400  }
0x1a3: {  	[sflag:s20] =	ssyncset.done $0x0  }
0x1a4: {  	[sflag:s20] =	ssyncadd.s32 $0xFFFFEC00  }
0x1a5: {  	_ =	swait.ge [sflag:s20], $0x28  }
0x1a6: {  	[sflag:s20] =	ssyncset.done $0x0  }
0x1a7: {  	[sflag:s20] =	ssyncadd.s32 $0xFFFFFFD8  }
0x1a8: {  	[spmem:s1] =	stream.indirect.scatter.add.f32 [tilespmem:s2], [sflag:$0x6], $0x80, s16, s10, $0xb8;
	[tilespmem:$0x1BB00] =	vst v63  }
0x1a9: {  	_ =	swait.ge [sflag:s21], $0x1400  }
0x1aa: {  	[sflag:s21] =	ssyncset.done $0x0;
	s25 =	rddreg [dreg:$0x1f]  }
0x1ab: {  	s26 =	sld [smem:$0x7F2];
	[sflag:s21] =	ssyncadd.s32 $0xFFFFEC00  }
0x1ac: {  	[tilespmem:s31], [sflag:$0x2] =	stream.linear.gather [hbm4b:s25+s3], $0x1400, $0x38;
	[tilespmem:$0x1BB00] =	vst v63  }
0x1ad: {  	_ = 	snop  }
0x1ae: {  	[tilespmem:s8], [sflag:$0x2] =	stream.linear.gather [hbm4b:s26+s3], $0x28, $0x38;
	[tilespmem:$0x1BB00] =	vst v63  }
0x1af: {  	_ =	swait.ge [sflag:s6], $0x1400  }
0x1b0: {  	[sflag:s6] =	ssyncset.done $0x0  }
0x1b1: {  	[sflag:s6] =	ssyncadd.s32 $0xFFFFEC00  }
0x1b2: {  	_ =	swait.ge [sflag:s6], $0x28  }
0x1b3: {  	[sflag:s6] =	ssyncset.done $0x0  }
0x1b4: {  	[sflag:s6] =	ssyncadd.s32 $0xFFFFFFD8  }
0x1b5: {  	[spmem:s1] =	stream.indirect.scatter.add.f32 [tilespmem:s3], [sflag:$0x4], $0x80, s9, s10, $0xb8;
	[tilespmem:$0x1BB00] =	vst v63  }
0x1b6: {  	_ =	swait.ge [sflag:s4], $0x1400  }
0x1b7: {  	s28 =	sld [smem:$0x7EE]  }
0x1b8: {  	[sflag:s4] =	ssyncset.done $0x0  }
0x1b9: {  	[sflag:s4] =	ssyncadd.s32 $0xFFFFEC00  }
0x1ba: {  	[tilespmem:s2], [sflag:$0x3] =	stream.linear.gather [hbm4b:s28+s3], $0x1400, $0x38;
	[tilespmem:$0x1BB00] =	vst v63  }
0x1bb: {  	s23 =	rddreg [dreg:$0xe]  }
0x1bc: {  	[tilespmem:s16], [sflag:$0x3] =	stream.linear.gather [hbm4b:s23+s3], $0x28, $0x38;
	[tilespmem:$0x1BB00] =	vst v63  }
0x1bd: {  	_ =	swait.ge [sflag:s13], $0x1400  }
0x1be: {  	[sflag:s13] =	ssyncset.done $0x0  }
0x1bf: {  	[sflag:s13] =	ssyncadd.s32 $0xFFFFEC00  }
0x1c0: {  	_ =	swait.ge [sflag:s13], $0x28  }
0x1c1: {  	[sflag:s13] =	ssyncset.done $0x0  }
0x1c2: {  	[sflag:s13] =	ssyncadd.s32 $0xFFFFFFD8  }
0x1c3: {  	[spmem:s1] =	stream.indirect.scatter.add.f32 [tilespmem:s31], [sflag:$0x5], $0x80, s8, s10, $0xb8;
	[tilespmem:$0x1BB00] =	vst v63  }
0x1c4: {  	_ =	swait.ge [sflag:s18], $0x1400  }
0x1c5: {  	s24 =	sld [smem:$0x7EF]  }
0x1c6: {  	[sflag:s18] =	ssyncset.done $0x0  }
0x1c7: {  	s25 =	sld [smem:$0x7F3];
	[sflag:s18] =	ssyncadd.s32 $0xFFFFEC00  }
0x1c8: {  	[tilespmem:s3], [sflag:$0x1] =	stream.linear.gather [hbm4b:s24+s3], $0x1400, $0x38;
	[tilespmem:$0x1BB00] =	vst v63  }
0x1c9: {  	_ = 	snop  }
0x1ca: {  	[tilespmem:s9], [sflag:$0x1] =	stream.linear.gather [hbm4b:s25+s3], $0x28, $0x38;
	[tilespmem:$0x1BB00] =	vst v63  }
0x1cb: {  	_ =	swait.ge [sflag:s20], $0x1400  }
0x1cc: {  	[sflag:s20] =	ssyncset.done $0x0  }
0x1cd: {  	[sflag:s20] =	ssyncadd.s32 $0xFFFFEC00  }
0x1ce: {  	_ =	swait.ge [sflag:s20], $0x28  }
0x1cf: {  	[sflag:s20] =	ssyncset.done $0x0  }
0x1d0: {  	[sflag:s20] =	ssyncadd.s32 $0xFFFFFFD8  }
0x1d1: {  	[spmem:s1] =	stream.indirect.scatter.add.f32 [tilespmem:s2], [sflag:$0x6], $0x80, s16, s10, $0xb8;
	[tilespmem:$0x1BB00] =	vst v63  }
0x1d2: {  	_ =	swait.ge [sflag:s21], $0x1400  }
0x1d3: {  	[sflag:s21] =	ssyncset.done $0x0  }
0x1d4: {  	[sflag:s21] =	ssyncadd.s32 $0xFFFFEC00  }
0x1d5: {  	_ =	swait.ge [sflag:s6], $0x1400  }
0x1d6: {  	[sflag:s6] =	ssyncset.done $0x0  }
0x1d7: {  	[sflag:s6] =	ssyncadd.s32 $0xFFFFEC00  }
0x1d8: {  	_ =	swait.ge [sflag:s6], $0x28  }
0x1d9: {  	[sflag:s6] =	ssyncset.done $0x0  }
0x1da: {  	[sflag:s6] =	ssyncadd.s32 $0xFFFFFFD8  }
0x1db: {  	[spmem:s1] =	stream.indirect.scatter.add.f32 [tilespmem:s3], [sflag:$0x4], $0x80, s9, s10, $0xb8;
	[tilespmem:$0x1BB00] =	vst v63  }
0x1dc: {  	_ =	swait.ge [sflag:s4], $0x1400  }
0x1dd: {  	[sflag:s4] =	ssyncset.done $0x0  }
0x1de: {  	[sflag:s4] =	ssyncadd.s32 $0xFFFFEC00  }
0x1df: {  	_ =	swait.ge [sflag:s18], $0x1400  }
0x1e0: {  	[sflag:s18] =	ssyncset.done $0x0  }
0x1e1: {  	[sflag:s18] =	ssyncadd.s32 $0xFFFFEC00  }
0x1e2: {  	[bflag:$0x0] =	sbarrier.arrive $0xFFFF  }
0x1e3: {  	s26 =	sld [smem:$0x7F5];
	_ =	sdelay $0x2  }
0x1e4: {  	[hbm:s26], [sflag:s15] =	dma.local [spmem:s22], $0x2800  }
0x1e5: {  	_ =	swait.ge [sflag:s5], $0x2800  }
0x1e6: {  	s28 =	sld [smem:$0x7F6];
	_ =	sdelay $0x1  }
0x1e7: {  	s17 =	sadd.s32 $0x1, s17  }
0x1e8: {  	p0 =	sne.s32 s17, s28  }
.Ltmp2:
0x1e9: {  	_ = 	snop;
	(pc) =	sbr.rel @p0 .LBB2_1-.Ltmp2, $3  }
0x1ea: {  	_ =	sdelay $0x1  }
0x1eb: {  	[sflag:s5] =	ssyncset.done $0x0  }
0x1ec: {  	s29 =	rddreg [dreg:$0x6];
	[sflag:s5] =	ssyncadd.s32 $0xFFFFD800  }
0x1ed: {  	_ =	sfence.sel $0x180000  }
0x1ee: {  	[bflag:$0x0] =	sbarrier.arrive $0xFFFF  }
0x1ef: {  	_ =	strace $0x90000047  }
0x1f0: {  	s0 =	stileid.u32;
	[bflag:$0x2] =	sbarrier.arrive $0xFFFF  }
0x1f1: {  	p0 =	sne.s32 s0, $0x0;
	s0 =	rddreg [dreg:$0x5]  }
0x1f2: {  	s0 =	sadd.s32 @!p0 $0x100000, s0  }
0x1f3: {  	[sflag:s0] =	ssyncadd.tile.s32 @!p0 $0x1;
	_ =	shalt  }
.Lfunc_end2:
_tile_overlayer_lowered:
.L_overlay_start_2:
0x1f4: {  	(tag) =	ssettag $0x2  }
0x1f5: {  	s0 =	rddreg [dreg:$0x0];
	s2 =	stileid.u32  }
0x1f6: {  	s1 =	rddreg [dreg:$0x1];
	p0 =	sne.s32 s2, $0x0  }
0x1f7: {  	s3 =	rddreg [dreg:$0x2];
	[bflag:$0x3] =	sbarrier.arrive $0xFFFF;
	s2 =	simm.s32 @!p0 $0x1C07  }
0x1f8: {  	[timem:s3], [sflag:s2] =	dma.local @!p0 [hbm:s0], s1  }
0x1f9: {  	s0 =	simm.s32 @!p0 $0x7  }
0x1fa: {  	_ =	swait.ge @!p0 [sflag:s0], s1  }
0x1fb: {  	s1 =	ssub.s32 @!p0 $0x0, s1;
	[sflag:s0] =	ssyncset.done @!p0 $0x0  }
0x1fc: {  	[sflag:s0] =	ssyncadd.s32 @!p0 s1  }
0x1fd: {  	[bflag:$0x3] =	sbarrier.arrive $0xFFFF  }
0x1fe: {  	_ =	shalt  }

</sc_bundles>
